<compile_context>
chip_gen: v7x
topology: tpu7x:2x2x1
jax: 0.10.2.dev20260603
libtpu: 0.0.44.dev20260713+nightly
codegen_flags: <defaults>
</compile_context>

<pallas_src>
import jax
import jax.numpy as jnp
from jax import lax
from jax.experimental import pallas as pl
from jax.experimental.pallas import tpu as pltpu
from jax.experimental.pallas import tpu_sc as plsc

_NUM_ENVS = 512
_MAX_LENGTH = 2048
_FEAT = 128
_SAMPLE_B = 1024
_MBL = 8
_L = 16
_NW = 32
_BPW = _SAMPLE_B // _NW
_RPW = _BPW * _MBL
_NCHUNK = 2
_CROWS = _RPW // _NCHUNK
_CSMP = _BPW // _NCHUNK


def _replay_body(mem_hbm, exp_hbm, wp_hbm, env_hbm, pos_hbm,
                 out_hbm, wout_hbm,
                 env_v, pos_v, wp_v, base_v, idx_v, rows_v, exp_v, o_v,
                 ones_v, sems):
    cid = lax.axis_index("c")
    sid = lax.axis_index("s")
    wid = sid * 2 + cid
    base = wid * _BPW

    cp_env = pltpu.async_copy(env_hbm.at[pl.ds(base, _BPW)], env_v, sems.at[0])
    cp_pos = pltpu.async_copy(pos_hbm.at[pl.ds(base, _BPW)], pos_v, sems.at[1])
    cp_wp = pltpu.async_copy(wp_hbm, wp_v, sems.at[2])

    lane = lax.iota(jnp.int32, _L)
    one16 = jnp.full((_L,), 1.0, jnp.float32)
    ones_v[pl.ds(0, _L)] = one16
    ones_v[pl.ds(_L, _L)] = one16
    cp_w = pltpu.async_copy(ones_v, wout_hbm.at[pl.ds(base, _BPW)], sems.at[4])

    cp_env.wait()
    cp_exp = pltpu.async_copy(exp_hbm.at[env_v], exp_v, sems.at[3])
    cp_pos.wait()

    for h in range(_BPW // _L):
        e16 = env_v[pl.ds(h * _L, _L)]
        p16 = pos_v[pl.ds(h * _L, _L)]
        base_v[pl.ds(h * _L, _L)] = e16 * _MAX_LENGTH + p16

    def idx_step(i, carry):
        j = lane + i * _L
        b = j >> 3
        t = j & 7
        idx_v[i // (_CROWS // _L), pl.ds((i % (_CROWS // _L)) * _L, _L)] = (
            plsc.load_gather(base_v, [b]) + t)
        return carry

    lax.fori_loop(0, _RPW // _L, idx_step, 0)
    gcps = []
    for k in range(_NCHUNK):
        gcps.append(pltpu.async_copy(
            mem_hbm.at[idx_v.at[k]],
            rows_v.at[pl.ds(k * _CROWS, _CROWS)], sems.at[5 + k]))

    cp_wp.wait()
    nhit = []
    for h in range(_BPW // _L):
        e16 = env_v[pl.ds(h * _L, _L)]
        p16 = pos_v[pl.ds(h * _L, _L)]
        o16 = plsc.load_gather(wp_v, [e16]) - p16
        o_v[pl.ds(_L + h * _L, _L)] = o16
        hit16 = (o16 >= 0) & (o16 < _MBL)
        nhit.append(jnp.max(jnp.where(hit16, 1, 0)))
    cp_exp.wait()

    def fixup(k):
        def body():
            def one_sample(smp, carry):
                sel = jnp.full((_L,), smp + _L, jnp.int32)
                o_spl = plsc.load_gather(o_v, [sel])
                hit = (o_spl >= 0) & (o_spl < _MBL)
                row_idx = smp * _MBL + jnp.where(hit, o_spl, 0)
                row_sel = jnp.full((_L,), smp, jnp.int32)
                for cc in range(_FEAT // _L):
                    col = lane + cc * _L
                    vals = plsc.load_gather(exp_v, [row_sel, col])
                    plsc.store_scatter(rows_v, [row_idx, col], vals, mask=hit)
                return carry
            lax.fori_loop(k * _CSMP, (k + 1) * _CSMP, one_sample, 0)
        pl.when(nhit[(k * _CSMP) // _L] > 0)(body)

    for k in range(_NCHUNK):
        gcps[k].wait()
        fixup(k)
    pltpu.sync_copy(rows_v, out_hbm.at[pl.ds(wid * _RPW, _RPW)])
    cp_w.wait()


@jax.jit
def _replay(mem2d, exp, write_pos, env_ids, positions):
    mesh = plsc.VectorSubcoreMesh(core_axis_name="c", subcore_axis_name="s",
                                  num_cores=2, num_subcores=16)
    run = pl.kernel(
        _replay_body,
        out_type=(
            jax.ShapeDtypeStruct((_SAMPLE_B * _MBL, _FEAT), jnp.float32),
            jax.ShapeDtypeStruct((_SAMPLE_B,), jnp.float32),
        ),
        mesh=mesh,
        compiler_params=pltpu.CompilerParams(needs_layout_passes=False,
                                             skip_device_barrier=True),
        scratch_types=[
            pltpu.VMEM((_BPW,), jnp.int32),
            pltpu.VMEM((_BPW,), jnp.int32),
            pltpu.VMEM((_NUM_ENVS,), jnp.int32),
            pltpu.VMEM((_BPW,), jnp.int32),
            pltpu.VMEM((_NCHUNK, _CROWS), jnp.int32),
            pltpu.VMEM((_RPW, _FEAT), jnp.float32),
            pltpu.VMEM((_BPW, _FEAT), jnp.float32),
            pltpu.VMEM((_L + _BPW,), jnp.int32),
            pltpu.VMEM((_BPW,), jnp.float32),
            pltpu.SemaphoreType.DMA((5 + _NCHUNK,)),
        ],
    )
    return run(mem2d, exp, write_pos, env_ids, positions)


def kernel(mem, exp, write_pos, env_ids, positions, mini_batch_length):
    mem2d = mem.reshape(_NUM_ENVS * _MAX_LENGTH, _FEAT)
    env = env_ids.astype(jnp.int32)
    wp = write_pos.astype(jnp.int32)
    pos = (positions + (mini_batch_length - _MBL)).astype(jnp.int32)
    samples, importance_weights = _replay(mem2d, exp, wp, env, pos)
    samples = samples.reshape(_SAMPLE_B, _MBL, _FEAT)
    return samples, importance_weights

# --- scband reference (transcript-rebuilt; emitter-appended) ---
"""Pipeline reference for scband-sync-experience-replayer-20426864460084 (READ-ONLY COPY).

The authoritative reference and input builder live on the scoring server;
editing this copy changes nothing except your own understanding.
"""

import jax, jax.numpy as jnp
import numpy as np

NUM_ENVS = 512
MAX_LENGTH = 2048
FEAT = 128
SAMPLE_B = 1024
MBL = 8


def setup_inputs(seed: int = 0) -> dict:
    key = jax.random.key(seed)
    k1, k2, k3, k4, k5 = jax.random.split(key, 5)
    mem = jax.random.normal(k1, (NUM_ENVS, MAX_LENGTH, FEAT), dtype=jnp.float32)
    exp = jax.random.normal(k2, (NUM_ENVS, FEAT), dtype=jnp.float32)
    write_pos = jax.random.randint(k3, (NUM_ENVS,), 0, MAX_LENGTH)
    env_ids = jax.random.randint(k4, (SAMPLE_B,), 0, NUM_ENVS)
    positions = jax.random.randint(k5, (SAMPLE_B,), 0, MAX_LENGTH - MBL)
    return {
        "mem": mem,
        "exp": exp,
        "write_pos": write_pos,
        "env_ids": env_ids,
        "positions": positions,
        "mini_batch_length": MBL,
    }


def reference(mem, exp, write_pos, env_ids, positions, mini_batch_length):
    """Core computation of SyncExperienceReplayer.

    observe(exp): ReplayBuffer.add_batch writes one experience row per
    environment at each env's current write position (scatter-overwrite
    into the [num_envs, max_length, feat] ring buffer).

    replay(sample_batch_size, mini_batch_length): ReplayBuffer.get_batch
    samples (env_id, start_position) pairs and gathers contiguous
    sequences of length mini_batch_length, returning samples plus
    BatchInfo importance weights (uniform when prioritized_sampling=False).
    """
    num_envs = mem.shape[0]
    # --- observe: scatter-overwrite current batch into the buffer ---
    env_range = jnp.arange(num_envs)
    updated = mem.at[env_range, write_pos].set(exp)
    # --- replay: gather [sample_batch_size, mini_batch_length, feat] ---
    offsets = jnp.arange(MBL) + (mini_batch_length - MBL)
    time_idx = positions[:, None] + offsets[None, :]
    samples = updated[env_ids[:, None], time_idx]
    # uniform importance weights (non-prioritized), normalized by mean
    importance_weights = jnp.ones((env_ids.shape[0],), dtype=jnp.float32)
    importance_weights = importance_weights / jnp.mean(importance_weights)
    return samples, importance_weights

if __name__ == "__main__":
    import jax
    _d = setup_inputs()
    print(jax.jit(kernel)(*tuple(_d.values())))

</pallas_src>

<mosaic_0001>
#map = affine_map<(d0, d1) -> (0, 0)>
#map1 = affine_map<(d0, d1) -> (0)>
module attributes {stable_mosaic.version = 14 : i64} {
  func.func @_replay_body(%arg0: i32, %arg1: i32, %arg2: memref<1048576x128xf32, #tpu.memory_space<hbm>>, %arg3: memref<512x128xf32, #tpu.memory_space<hbm>>, %arg4: memref<512xi32, #tpu.memory_space<hbm>>, %arg5: memref<1024xi32, #tpu.memory_space<hbm>>, %arg6: memref<1024xi32, #tpu.memory_space<hbm>>, %arg7: memref<8192x128xf32, #tpu.memory_space<hbm>>, %arg8: memref<1024xf32, #tpu.memory_space<hbm>>, %arg9: memref<32xi32, #tpu.memory_space<vmem>>, %arg10: memref<32xi32, #tpu.memory_space<vmem>>, %arg11: memref<512xi32, #tpu.memory_space<vmem>>, %arg12: memref<32xi32, #tpu.memory_space<vmem>>, %arg13: memref<2x128xi32, #tpu.memory_space<vmem>>, %arg14: memref<256x128xf32, #tpu.memory_space<vmem>>, %arg15: memref<32x128xf32, #tpu.memory_space<vmem>>, %arg16: memref<48xi32, #tpu.memory_space<vmem>>, %arg17: memref<32xf32, #tpu.memory_space<vmem>>, %arg18: memref<7x!tpu.dma_semaphore, #tpu.memory_space<semaphore_mem>>) attributes {dimension_semantics = [#tpu.dimension_semantics<core_parallel>, #tpu.dimension_semantics<subcore_parallel>], iteration_bounds = array<i64: 2, 16>, scalar_prefetch = 0 : i64, scratch_operands = 10 : i64, tpu.core_type = #tpu.core_type<sc_vector_subcore>, window_params = [{transform_indices = #map}, {transform_indices = #map}, {transform_indices = #map1}, {transform_indices = #map1}, {transform_indices = #map1}, {transform_indices = #map}, {transform_indices = #map1}]} {
    %mul3A = arith.constant 2 : i32
    %mul3A_0 = arith.muli %arg1, %mul3A : i32
    %add3A = arith.addi %mul3A_0, %arg0 : i32
    %mul3A_1 = arith.constant 32 : i32
    %mul3A_2 = arith.muli %add3A, %mul3A_1 : i32
    %dma_start3A = arith.constant 0 : i32
    %dma_start3A_3 = tpu.memref_slice %arg5[%mul3A_2] : memref<1024xi32, #tpu.memory_space<hbm>> -> memref<32xi32, #tpu.memory_space<hbm>>
    %dma_start3A_4 = tpu.memref_slice %arg18[%dma_start3A] : memref<7x!tpu.dma_semaphore, #tpu.memory_space<semaphore_mem>> -> memref<1x!tpu.dma_semaphore, #tpu.memory_space<semaphore_mem>>
    %dma_start3A_5 = tpu.memref_squeeze %dma_start3A_4 : memref<1x!tpu.dma_semaphore, #tpu.memory_space<semaphore_mem>> -> memref<!tpu.dma_semaphore, #tpu.memory_space<semaphore_mem>>
    %dma_start3A_6 = tpu.memref_slice %arg5[%mul3A_2] : memref<1024xi32, #tpu.memory_space<hbm>> -> memref<32xi32, #tpu.memory_space<hbm>>
    tpu.enqueue_dma source(%dma_start3A_6 : memref<32xi32, #tpu.memory_space<hbm>>) target(%arg9 : memref<32xi32, #tpu.memory_space<vmem>>) target_semaphore(%dma_start3A_5 : memref<!tpu.dma_semaphore, #tpu.memory_space<semaphore_mem>>)
    %dma_start3A_7 = arith.constant 1 : i32
    %dma_start3A_8 = tpu.memref_slice %arg6[%mul3A_2] : memref<1024xi32, #tpu.memory_space<hbm>> -> memref<32xi32, #tpu.memory_space<hbm>>
    %dma_start3A_9 = tpu.memref_slice %arg18[%dma_start3A_7] : memref<7x!tpu.dma_semaphore, #tpu.memory_space<semaphore_mem>> -> memref<1x!tpu.dma_semaphore, #tpu.memory_space<semaphore_mem>>
    %dma_start3A_10 = tpu.memref_squeeze %dma_start3A_9 : memref<1x!tpu.dma_semaphore, #tpu.memory_space<semaphore_mem>> -> memref<!tpu.dma_semaphore, #tpu.memory_space<semaphore_mem>>
    %dma_start3A_11 = tpu.memref_slice %arg6[%mul3A_2] : memref<1024xi32, #tpu.memory_space<hbm>> -> memref<32xi32, #tpu.memory_space<hbm>>
    tpu.enqueue_dma source(%dma_start3A_11 : memref<32xi32, #tpu.memory_space<hbm>>) target(%arg10 : memref<32xi32, #tpu.memory_space<vmem>>) target_semaphore(%dma_start3A_10 : memref<!tpu.dma_semaphore, #tpu.memory_space<semaphore_mem>>)
    %dma_start3A_12 = arith.constant 2 : i32
    %dma_start3A_13 = tpu.memref_slice %arg18[%dma_start3A_12] : memref<7x!tpu.dma_semaphore, #tpu.memory_space<semaphore_mem>> -> memref<1x!tpu.dma_semaphore, #tpu.memory_space<semaphore_mem>>
    %dma_start3A_14 = tpu.memref_squeeze %dma_start3A_13 : memref<1x!tpu.dma_semaphore, #tpu.memory_space<semaphore_mem>> -> memref<!tpu.dma_semaphore, #tpu.memory_space<semaphore_mem>>
    tpu.enqueue_dma source(%arg4 : memref<512xi32, #tpu.memory_space<hbm>>) target(%arg11 : memref<512xi32, #tpu.memory_space<vmem>>) target_semaphore(%dma_start3A_14 : memref<!tpu.dma_semaphore, #tpu.memory_space<semaphore_mem>>)
    %iota3A = tpu.iota {dimensions = array<i32: 0>} : vector<16xi32>
    %broadcast_in_dim3A = arith.constant 1.000000e+00 : f32
    %broadcast_in_dim3A_15 = vector.broadcast %broadcast_in_dim3A : f32 to vector<16xf32>
    %swap3A = arith.constant 0 : index
    %swap3A_16 = tpu.vector_load %arg17[%swap3A] {strides = array<i32>} : memref<32xf32, #tpu.memory_space<vmem>>, vector<16xf32>,
    tpu.vector_store %arg17[%swap3A], %broadcast_in_dim3A_15 {strides = array<i32>} : memref<32xf32, #tpu.memory_space<vmem>>, vector<16xf32>,
    %swap3A_17 = arith.constant 16 : index
    %swap3A_18 = tpu.vector_load %arg17[%swap3A_17] {strides = array<i32>} : memref<32xf32, #tpu.memory_space<vmem>>, vector<16xf32>,
    tpu.vector_store %arg17[%swap3A_17], %broadcast_in_dim3A_15 {strides = array<i32>} : memref<32xf32, #tpu.memory_space<vmem>>, vector<16xf32>,
    %dma_start3A_19 = arith.constant 4 : i32
    %dma_start3A_20 = tpu.memref_slice %arg8[%mul3A_2] : memref<1024xf32, #tpu.memory_space<hbm>> -> memref<32xf32, #tpu.memory_space<hbm>>
    %dma_start3A_21 = tpu.memref_slice %arg18[%dma_start3A_19] : memref<7x!tpu.dma_semaphore, #tpu.memory_space<semaphore_mem>> -> memref<1x!tpu.dma_semaphore, #tpu.memory_space<semaphore_mem>>
    %dma_start3A_22 = tpu.memref_squeeze %dma_start3A_21 : memref<1x!tpu.dma_semaphore, #tpu.memory_space<semaphore_mem>> -> memref<!tpu.dma_semaphore, #tpu.memory_space<semaphore_mem>>
    %dma_start3A_23 = tpu.memref_slice %arg8[%mul3A_2] : memref<1024xf32, #tpu.memory_space<hbm>> -> memref<32xf32, #tpu.memory_space<hbm>>
    tpu.enqueue_dma source(%arg17 : memref<32xf32, #tpu.memory_space<vmem>>) target(%dma_start3A_23 : memref<32xf32, #tpu.memory_space<hbm>>) target_semaphore(%dma_start3A_22 : memref<!tpu.dma_semaphore, #tpu.memory_space<semaphore_mem>>)
    %dma_wait3A = arith.constant 0 : i32
    %dma_wait3A_24 = tpu.memref_slice %arg5[%mul3A_2] : memref<1024xi32, #tpu.memory_space<hbm>> -> memref<32xi32, #tpu.memory_space<hbm>>
    %dma_wait3A_25 = tpu.memref_slice %arg18[%dma_wait3A] : memref<7x!tpu.dma_semaphore, #tpu.memory_space<semaphore_mem>> -> memref<1x!tpu.dma_semaphore, #tpu.memory_space<semaphore_mem>>
    %dma_wait3A_26 = tpu.memref_squeeze %dma_wait3A_25 : memref<1x!tpu.dma_semaphore, #tpu.memory_space<semaphore_mem>> -> memref<!tpu.dma_semaphore, #tpu.memory_space<semaphore_mem>>
    %dma_wait3A_27 = tpu.memref_slice %arg5[%mul3A_2] : memref<1024xi32, #tpu.memory_space<hbm>> -> memref<32xi32, #tpu.memory_space<hbm>>
    tpu.wait_dma2 semaphore(%dma_wait3A_26 : memref<!tpu.dma_semaphore, #tpu.memory_space<semaphore_mem>>) src(%dma_wait3A_27 : memref<32xi32, #tpu.memory_space<hbm>>) dst(%arg9 : memref<32xi32, #tpu.memory_space<vmem>>)
    %dma_start3A_28 = arith.constant 3 : i32
    %dma_start3A_29 = arith.constant 0 : i32
    %dma_start3A_30 = arith.constant 0 : i32
    %dma_start3A_31 = tpu.memref_slice %arg3[%dma_start3A_29, %dma_start3A_30] : memref<512x128xf32, #tpu.memory_space<hbm>> -> memref<512x128xf32, #tpu.memory_space<hbm>>
    %dma_start3A_32 = tpu.memref_slice %arg18[%dma_start3A_28] : memref<7x!tpu.dma_semaphore, #tpu.memory_space<semaphore_mem>> -> memref<1x!tpu.dma_semaphore, #tpu.memory_space<semaphore_mem>>
    %dma_start3A_33 = tpu.memref_squeeze %dma_start3A_32 : memref<1x!tpu.dma_semaphore, #tpu.memory_space<semaphore_mem>> -> memref<!tpu.dma_semaphore, #tpu.memory_space<semaphore_mem>>
    tpu.enqueue_indirect_dma source(%dma_start3A_31 : memref<512x128xf32, #tpu.memory_space<hbm>>) target(%arg15 : memref<32x128xf32, #tpu.memory_space<vmem>>) offsets(%arg9 : memref<32xi32, #tpu.memory_space<vmem>>) semaphore(%dma_start3A_33 : memref<!tpu.dma_semaphore, #tpu.memory_space<semaphore_mem>>)
    %dma_wait3A_34 = arith.constant 1 : i32
    %dma_wait3A_35 = tpu.memref_slice %arg6[%mul3A_2] : memref<1024xi32, #tpu.memory_space<hbm>> -> memref<32xi32, #tpu.memory_space<hbm>>
    %dma_wait3A_36 = tpu.memref_slice %arg18[%dma_wait3A_34] : memref<7x!tpu.dma_semaphore, #tpu.memory_space<semaphore_mem>> -> memref<1x!tpu.dma_semaphore, #tpu.memory_space<semaphore_mem>>
    %dma_wait3A_37 = tpu.memref_squeeze %dma_wait3A_36 : memref<1x!tpu.dma_semaphore, #tpu.memory_space<semaphore_mem>> -> memref<!tpu.dma_semaphore, #tpu.memory_space<semaphore_mem>>
    %dma_wait3A_38 = tpu.memref_slice %arg6[%mul3A_2] : memref<1024xi32, #tpu.memory_space<hbm>> -> memref<32xi32, #tpu.memory_space<hbm>>
    tpu.wait_dma2 semaphore(%dma_wait3A_37 : memref<!tpu.dma_semaphore, #tpu.memory_space<semaphore_mem>>) src(%dma_wait3A_38 : memref<32xi32, #tpu.memory_space<hbm>>) dst(%arg10 : memref<32xi32, #tpu.memory_space<vmem>>)
    %get3A = arith.constant 0 : index
    %get3A_39 = tpu.vector_load %arg9[%get3A] {strides = array<i32>} : memref<32xi32, #tpu.memory_space<vmem>>, vector<16xi32>,
    %get3A_40 = arith.constant 0 : index
    %get3A_41 = tpu.vector_load %arg10[%get3A_40] {strides = array<i32>} : memref<32xi32, #tpu.memory_space<vmem>>, vector<16xi32>,
    %mul3A_42 = arith.constant 2048 : i32
    %mul3A_43 = vector.broadcast %mul3A_42 : i32 to vector<16xi32>
    %mul3A_44 = arith.muli %get3A_39, %mul3A_43 : vector<16xi32>
    %add3A_45 = arith.addi %mul3A_44, %get3A_41 : vector<16xi32>
    %swap3A_46 = arith.constant 0 : index
    %swap3A_47 = tpu.vector_load %arg12[%swap3A_46] {strides = array<i32>} : memref<32xi32, #tpu.memory_space<vmem>>, vector<16xi32>,
    tpu.vector_store %arg12[%swap3A_46], %add3A_45 {strides = array<i32>} : memref<32xi32, #tpu.memory_space<vmem>>, vector<16xi32>,
    %get3A_48 = arith.constant 16 : index
    %get3A_49 = tpu.vector_load %arg9[%get3A_48] {strides = array<i32>} : memref<32xi32, #tpu.memory_space<vmem>>, vector<16xi32>,
    %get3A_50 = arith.constant 16 : index
    %get3A_51 = tpu.vector_load %arg10[%get3A_50] {strides = array<i32>} : memref<32xi32, #tpu.memory_space<vmem>>, vector<16xi32>,
    %mul3A_52 = arith.constant 2048 : i32
    %mul3A_53 = vector.broadcast %mul3A_52 : i32 to vector<16xi32>
    %mul3A_54 = arith.muli %get3A_49, %mul3A_53 : vector<16xi32>
    %add3A_55 = arith.addi %mul3A_54, %get3A_51 : vector<16xi32>
    %swap3A_56 = arith.constant 16 : index
    %swap3A_57 = tpu.vector_load %arg12[%swap3A_56] {strides = array<i32>} : memref<32xi32, #tpu.memory_space<vmem>>, vector<16xi32>,
    tpu.vector_store %arg12[%swap3A_56], %add3A_55 {strides = array<i32>} : memref<32xi32, #tpu.memory_space<vmem>>, vector<16xi32>,
    %scan3A = arith.constant 0 : i32
    %scan3A_58 = arith.constant 0 : i32
    %scan3A_59 = arith.constant 16 : i32
    %scan3A_60 = arith.addi %scan3A_58, %scan3A_59 : i32
    %scan3A_61 = arith.constant 1 : i32
    scf.for %scan3A_186 = %scan3A_58 to %scan3A_60 step %scan3A_61  : i32 {
      %mul3A_187 = arith.constant 16 : i32
      %mul3A_188 = arith.muli %scan3A_186, %mul3A_187 : i32
      %add3A_189 = vector.broadcast %mul3A_188 : i32 to vector<16xi32>
      %add3A_190 = arith.addi %iota3A, %add3A_189 : vector<16xi32>
      %shift_right_arithmetic3A = arith.constant 3 : i32
      %shift_right_arithmetic3A_191 = vector.broadcast %shift_right_arithmetic3A : i32 to vector<16xi32>
      %shift_right_arithmetic3A_192 = arith.shrsi %add3A_190, %shift_right_arithmetic3A_191 : vector<16xi32>
      %and3A_193 = arith.constant 7 : i32
      %and3A_194 = vector.broadcast %and3A_193 : i32 to vector<16xi32>
      %and3A_195 = arith.andi %add3A_190, %and3A_194 : vector<16xi32>
      %gather3A_196 = tpu.vector_load_idx %arg12[%shift_right_arithmetic3A_192] : memref<32xi32, #tpu.memory_space<vmem>>[vector<16xi32>], vector<16xi32>,
      %add3A_197 = arith.addi %gather3A_196, %and3A_195 : vector<16xi32>
      %jit3A_198 = arith.constant 8 : i32
      %div3A = arith.divsi %scan3A_186, %jit3A_198 : i32
      %sign3A = arith.constant 0 : i32
      %sign3A_199 = arith.cmpi sgt, %scan3A_186, %sign3A : i32
      %sign3A_200 = arith.extui %sign3A_199 : i1 to i32
      %sign3A_201 = arith.constant 0 : i32
      %sign3A_202 = arith.cmpi slt, %scan3A_186, %sign3A_201 : i32
      %sign3A_203 = arith.extui %sign3A_202 : i1 to i32
      %sign3A_204 = arith.subi %sign3A_200, %sign3A_203 : i32
      %sign3A_205 = arith.constant 0 : i32
      %sign3A_206 = arith.cmpi sgt, %jit3A_198, %sign3A_205 : i32
      %sign3A_207 = arith.extui %sign3A_206 : i1 to i32
      %sign3A_208 = arith.constant 0 : i32
      %sign3A_209 = arith.cmpi slt, %jit3A_198, %sign3A_208 : i32
      %sign3A_210 = arith.extui %sign3A_209 : i1 to i32
      %sign3A_211 = arith.subi %sign3A_207, %sign3A_210 : i32
      %ne3A = arith.cmpi ne, %sign3A_204, %sign3A_211 : i32
      %rem3A = arith.remsi %scan3A_186, %jit3A_198 : i32
      %ne3A_212 = arith.constant 0 : i32
      %ne3A_213 = arith.cmpi ne, %rem3A, %ne3A_212 : i32
      %and3A_214 = arith.andi %ne3A, %ne3A_213 : i1
      %sub3A_215 = arith.constant 1 : i32
      %sub3A_216 = arith.subi %div3A, %sub3A_215 : i32
      %select_n3A_217 = arith.select %and3A_214, %sub3A_216, %div3A : i32
      %jit3A_218 = arith.constant 8 : i32
      %eq3A = arith.constant 0 : i32
      %eq3A_219 = arith.cmpi eq, %jit3A_218, %eq3A : i32
      %jit3A_220 = arith.constant 1 : i32
      %select_n3A_221 = arith.select %eq3A_219, %jit3A_220, %jit3A_218 : i32
      %rem3A_222 = arith.remsi %scan3A_186, %select_n3A_221 : i32
      %ne3A_223 = arith.constant 0 : i32
      %ne3A_224 = arith.cmpi ne, %rem3A_222, %ne3A_223 : i32
      %lt3A_225 = arith.constant 0 : i32
      %lt3A_226 = arith.cmpi slt, %rem3A_222, %lt3A_225 : i32
      %lt3A_227 = arith.constant 0 : i32
      %lt3A_228 = arith.cmpi slt, %select_n3A_221, %lt3A_227 : i32
      %ne3A_229 = arith.xori %lt3A_226, %lt3A_228 : i1
      %and3A_230 = arith.andi %ne3A_229, %ne3A_224 : i1
      %add3A_231 = arith.addi %rem3A_222, %select_n3A_221 : i32
      %select_n3A_232 = arith.select %and3A_230, %add3A_231, %rem3A_222 : i32
      %mul3A_233 = arith.constant 16 : i32
      %mul3A_234 = arith.muli %select_n3A_232, %mul3A_233 : i32
      %swap3A_235 = arith.index_cast %select_n3A_217 : i32 to index
      %swap3A_236 = arith.index_cast %mul3A_234 : i32 to index
      %swap3A_237 = tpu.vector_load %arg13[%swap3A_235, %swap3A_236] {strides = array<i32>} : memref<2x128xi32, #tpu.memory_space<vmem>>, vector<16xi32>,
      tpu.vector_store %arg13[%swap3A_235, %swap3A_236], %add3A_197 {strides = array<i32>} : memref<2x128xi32, #tpu.memory_space<vmem>>, vector<16xi32>,
    }
    %scan3A_62 = arith.constant 16 : i32
    %dma_start3A_63 = arith.constant 0 : i32
    %dma_start3A_64 = arith.constant 5 : i32
    %dma_start3A_65 = arith.constant 0 : i32
    %dma_start3A_66 = arith.constant 0 : i32
    %dma_start3A_67 = tpu.memref_slice %arg14[%dma_start3A_65, %dma_start3A_66] : memref<256x128xf32, #tpu.memory_space<vmem>> -> memref<128x128xf32, #tpu.memory_space<vmem>>
    %dma_start3A_68 = arith.constant 0 : i32
    %dma_start3A_69 = tpu.memref_slice %arg13[%dma_start3A_63, %dma_start3A_68] : memref<2x128xi32, #tpu.memory_space<vmem>> -> memref<1x128xi32, #tpu.memory_space<vmem>>
    %dma_start3A_70 = tpu.memref_squeeze %dma_start3A_69 : memref<1x128xi32, #tpu.memory_space<vmem>> -> memref<128xi32, #tpu.memory_space<vmem>>
    %dma_start3A_71 = arith.constant 0 : i32
    %dma_start3A_72 = arith.constant 0 : i32
    %dma_start3A_73 = tpu.memref_slice %arg2[%dma_start3A_71, %dma_start3A_72] : memref<1048576x128xf32, #tpu.memory_space<hbm>> -> memref<1048576x128xf32, #tpu.memory_space<hbm>>
    %dma_start3A_74 = tpu.memref_slice %arg18[%dma_start3A_64] : memref<7x!tpu.dma_semaphore, #tpu.memory_space<semaphore_mem>> -> memref<1x!tpu.dma_semaphore, #tpu.memory_space<semaphore_mem>>
    %dma_start3A_75 = tpu.memref_squeeze %dma_start3A_74 : memref<1x!tpu.dma_semaphore, #tpu.memory_space<semaphore_mem>> -> memref<!tpu.dma_semaphore, #tpu.memory_space<semaphore_mem>>
    tpu.enqueue_indirect_dma source(%dma_start3A_73 : memref<1048576x128xf32, #tpu.memory_space<hbm>>) target(%dma_start3A_67 : memref<128x128xf32, #tpu.memory_space<vmem>>) offsets(%dma_start3A_70 : memref<128xi32, #tpu.memory_space<vmem>>) semaphore(%dma_start3A_75 : memref<!tpu.dma_semaphore, #tpu.memory_space<semaphore_mem>>)
    %dma_start3A_76 = arith.constant 1 : i32
    %dma_start3A_77 = arith.constant 6 : i32
    %dma_start3A_78 = arith.constant 128 : i32
    %dma_start3A_79 = arith.constant 0 : i32
    %dma_start3A_80 = tpu.memref_slice %arg14[%dma_start3A_78, %dma_start3A_79] : memref<256x128xf32, #tpu.memory_space<vmem>> -> memref<128x128xf32, #tpu.memory_space<vmem>>
    %dma_start3A_81 = arith.constant 0 : i32
    %dma_start3A_82 = tpu.memref_slice %arg13[%dma_start3A_76, %dma_start3A_81] : memref<2x128xi32, #tpu.memory_space<vmem>> -> memref<1x128xi32, #tpu.memory_space<vmem>>
    %dma_start3A_83 = tpu.memref_squeeze %dma_start3A_82 : memref<1x128xi32, #tpu.memory_space<vmem>> -> memref<128xi32, #tpu.memory_space<vmem>>
    %dma_start3A_84 = arith.constant 0 : i32
    %dma_start3A_85 = arith.constant 0 : i32
    %dma_start3A_86 = tpu.memref_slice %arg2[%dma_start3A_84, %dma_start3A_85] : memref<1048576x128xf32, #tpu.memory_space<hbm>> -> memref<1048576x128xf32, #tpu.memory_space<hbm>>
    %dma_start3A_87 = tpu.memref_slice %arg18[%dma_start3A_77] : memref<7x!tpu.dma_semaphore, #tpu.memory_space<semaphore_mem>> -> memref<1x!tpu.dma_semaphore, #tpu.memory_space<semaphore_mem>>
    %dma_start3A_88 = tpu.memref_squeeze %dma_start3A_87 : memref<1x!tpu.dma_semaphore, #tpu.memory_space<semaphore_mem>> -> memref<!tpu.dma_semaphore, #tpu.memory_space<semaphore_mem>>
    tpu.enqueue_indirect_dma source(%dma_start3A_86 : memref<1048576x128xf32, #tpu.memory_space<hbm>>) target(%dma_start3A_80 : memref<128x128xf32, #tpu.memory_space<vmem>>) offsets(%dma_start3A_83 : memref<128xi32, #tpu.memory_space<vmem>>) semaphore(%dma_start3A_88 : memref<!tpu.dma_semaphore, #tpu.memory_space<semaphore_mem>>)
    %dma_wait3A_89 = arith.constant 2 : i32
    %dma_wait3A_90 = tpu.memref_slice %arg18[%dma_wait3A_89] : memref<7x!tpu.dma_semaphore, #tpu.memory_space<semaphore_mem>> -> memref<1x!tpu.dma_semaphore, #tpu.memory_space<semaphore_mem>>
    %dma_wait3A_91 = tpu.memref_squeeze %dma_wait3A_90 : memref<1x!tpu.dma_semaphore, #tpu.memory_space<semaphore_mem>> -> memref<!tpu.dma_semaphore, #tpu.memory_space<semaphore_mem>>
    tpu.wait_dma2 semaphore(%dma_wait3A_91 : memref<!tpu.dma_semaphore, #tpu.memory_space<semaphore_mem>>) src(%arg4 : memref<512xi32, #tpu.memory_space<hbm>>) dst(%arg11 : memref<512xi32, #tpu.memory_space<vmem>>)
    %get3A_92 = arith.constant 0 : index
    %get3A_93 = tpu.vector_load %arg9[%get3A_92] {strides = array<i32>} : memref<32xi32, #tpu.memory_space<vmem>>, vector<16xi32>,
    %get3A_94 = arith.constant 0 : index
    %get3A_95 = tpu.vector_load %arg10[%get3A_94] {strides = array<i32>} : memref<32xi32, #tpu.memory_space<vmem>>, vector<16xi32>,
    %gather3A = tpu.vector_load_idx %arg11[%get3A_93] : memref<512xi32, #tpu.memory_space<vmem>>[vector<16xi32>], vector<16xi32>,
    %sub3A = arith.subi %gather3A, %get3A_95 : vector<16xi32>
    %swap3A_96 = arith.constant 16 : index
    %swap3A_97 = tpu.vector_load %arg16[%swap3A_96] {strides = array<i32>} : memref<48xi32, #tpu.memory_space<vmem>>, vector<16xi32>,
    tpu.vector_store %arg16[%swap3A_96], %sub3A {strides = array<i32>} : memref<48xi32, #tpu.memory_space<vmem>>, vector<16xi32>,
    %ge3A = arith.constant 0 : i32
    %ge3A_98 = vector.broadcast %ge3A : i32 to vector<16xi32>
    %ge3A_99 = arith.cmpi sge, %sub3A, %ge3A_98 : vector<16xi32>
    %lt3A = arith.constant 8 : i32
    %lt3A_100 = vector.broadcast %lt3A : i32 to vector<16xi32>
    %lt3A_101 = arith.cmpi slt, %sub3A, %lt3A_100 : vector<16xi32>
    %and3A = arith.andi %ge3A_99, %lt3A_101 : vector<16xi1>
    %jit3A = arith.constant 1 : i32
    %jit3A_102 = arith.constant 0 : i32
    %broadcast_in_dim3A_103 = vector.broadcast %jit3A : i32 to vector<16xi32>
    %broadcast_in_dim3A_104 = vector.broadcast %jit3A_102 : i32 to vector<16xi32>
    %select_n3A = arith.select %and3A, %broadcast_in_dim3A_103, %broadcast_in_dim3A_104 : vector<16xi1>, vector<16xi32>
    %reduce_max3A = arith.constant true
    %reduce_max3A_105 = vector.broadcast %reduce_max3A : i1 to vector<16xi1>
    %reduce_max3A_106 = arith.constant -2147483648 : i32
    %reduce_max3A_107 = vector.broadcast %reduce_max3A_106 : i32 to vector<16xi32>
    %reduce_max3A_108 = arith.xori %select_n3A, %reduce_max3A_107 : vector<16xi32>
    %reduce_max3A_109 = tpu.scan <max>, %reduce_max3A_108 masked %reduce_max3A_105 : vector<16xi32>, vector<16xi1> -> vector<16xi32>
    %reduce_max3A_110 = arith.xori %reduce_max3A_109, %reduce_max3A_107 : vector<16xi32>
    %reduce_max3A_111 = vector.extract %reduce_max3A_110[15] : i32 from vector<16xi32>
    %get3A_112 = arith.constant 16 : index
    %get3A_113 = tpu.vector_load %arg9[%get3A_112] {strides = array<i32>} : memref<32xi32, #tpu.memory_space<vmem>>, vector<16xi32>,
    %get3A_114 = arith.constant 16 : index
    %get3A_115 = tpu.vector_load %arg10[%get3A_114] {strides = array<i32>} : memref<32xi32, #tpu.memory_space<vmem>>, vector<16xi32>,
    %gather3A_116 = tpu.vector_load_idx %arg11[%get3A_113] : memref<512xi32, #tpu.memory_space<vmem>>[vector<16xi32>], vector<16xi32>,
    %sub3A_117 = arith.subi %gather3A_116, %get3A_115 : vector<16xi32>
    %swap3A_118 = arith.constant 32 : index
    %swap3A_119 = tpu.vector_load %arg16[%swap3A_118] {strides = array<i32>} : memref<48xi32, #tpu.memory_space<vmem>>, vector<16xi32>,
    tpu.vector_store %arg16[%swap3A_118], %sub3A_117 {strides = array<i32>} : memref<48xi32, #tpu.memory_space<vmem>>, vector<16xi32>,
    %ge3A_120 = arith.constant 0 : i32
    %ge3A_121 = vector.broadcast %ge3A_120 : i32 to vector<16xi32>
    %ge3A_122 = arith.cmpi sge, %sub3A_117, %ge3A_121 : vector<16xi32>
    %lt3A_123 = arith.constant 8 : i32
    %lt3A_124 = vector.broadcast %lt3A_123 : i32 to vector<16xi32>
    %lt3A_125 = arith.cmpi slt, %sub3A_117, %lt3A_124 : vector<16xi32>
    %and3A_126 = arith.andi %ge3A_122, %lt3A_125 : vector<16xi1>
    %jit3A_127 = arith.constant 1 : i32
    %jit3A_128 = arith.constant 0 : i32
    %broadcast_in_dim3A_129 = vector.broadcast %jit3A_127 : i32 to vector<16xi32>
    %broadcast_in_dim3A_130 = vector.broadcast %jit3A_128 : i32 to vector<16xi32>
    %select_n3A_131 = arith.select %and3A_126, %broadcast_in_dim3A_129, %broadcast_in_dim3A_130 : vector<16xi1>, vector<16xi32>
    %reduce_max3A_132 = arith.constant true
    %reduce_max3A_133 = vector.broadcast %reduce_max3A_132 : i1 to vector<16xi1>
    %reduce_max3A_134 = arith.constant -2147483648 : i32
    %reduce_max3A_135 = vector.broadcast %reduce_max3A_134 : i32 to vector<16xi32>
    %reduce_max3A_136 = arith.xori %select_n3A_131, %reduce_max3A_135 : vector<16xi32>
    %reduce_max3A_137 = tpu.scan <max>, %reduce_max3A_136 masked %reduce_max3A_133 : vector<16xi32>, vector<16xi1> -> vector<16xi32>
    %reduce_max3A_138 = arith.xori %reduce_max3A_137, %reduce_max3A_135 : vector<16xi32>
    %reduce_max3A_139 = vector.extract %reduce_max3A_138[15] : i32 from vector<16xi32>
    %dma_wait3A_140 = arith.constant 3 : i32
    %dma_wait3A_141 = arith.constant 0 : i32
    %dma_wait3A_142 = arith.constant 0 : i32
    %dma_wait3A_143 = tpu.memref_slice %arg3[%dma_wait3A_141, %dma_wait3A_142] : memref<512x128xf32, #tpu.memory_space<hbm>> -> memref<512x128xf32, #tpu.memory_space<hbm>>
    %dma_wait3A_144 = tpu.memref_slice %arg18[%dma_wait3A_140] : memref<7x!tpu.dma_semaphore, #tpu.memory_space<semaphore_mem>> -> memref<1x!tpu.dma_semaphore, #tpu.memory_space<semaphore_mem>>
    %dma_wait3A_145 = tpu.memref_squeeze %dma_wait3A_144 : memref<1x!tpu.dma_semaphore, #tpu.memory_space<semaphore_mem>> -> memref<!tpu.dma_semaphore, #tpu.memory_space<semaphore_mem>>
    tpu.wait_indirect_dma semaphore(%dma_wait3A_145 : memref<!tpu.dma_semaphore, #tpu.memory_space<semaphore_mem>>) src(%dma_wait3A_143 : memref<512x128xf32, #tpu.memory_space<hbm>>) dst(%arg15 : memref<32x128xf32, #tpu.memory_space<vmem>>)
    %dma_wait3A_146 = arith.constant 0 : i32
    %dma_wait3A_147 = arith.constant 5 : i32
    %dma_wait3A_148 = arith.constant 0 : i32
    %dma_wait3A_149 = arith.constant 0 : i32
    %dma_wait3A_150 = tpu.memref_slice %arg14[%dma_wait3A_148, %dma_wait3A_149] : memref<256x128xf32, #tpu.memory_space<vmem>> -> memref<128x128xf32, #tpu.memory_space<vmem>>
    %dma_wait3A_151 = arith.constant 0 : i32
    %dma_wait3A_152 = tpu.memref_slice %arg13[%dma_wait3A_146, %dma_wait3A_151] : memref<2x128xi32, #tpu.memory_space<vmem>> -> memref<1x128xi32, #tpu.memory_space<vmem>>
    %dma_wait3A_153 = tpu.memref_squeeze %dma_wait3A_152 : memref<1x128xi32, #tpu.memory_space<vmem>> -> memref<128xi32, #tpu.memory_space<vmem>>
    %dma_wait3A_154 = arith.constant 0 : i32
    %dma_wait3A_155 = arith.constant 0 : i32
    %dma_wait3A_156 = tpu.memref_slice %arg2[%dma_wait3A_154, %dma_wait3A_155] : memref<1048576x128xf32, #tpu.memory_space<hbm>> -> memref<1048576x128xf32, #tpu.memory_space<hbm>>
    %dma_wait3A_157 = tpu.memref_slice %arg18[%dma_wait3A_147] : memref<7x!tpu.dma_semaphore, #tpu.memory_space<semaphore_mem>> -> memref<1x!tpu.dma_semaphore, #tpu.memory_space<semaphore_mem>>
    %dma_wait3A_158 = tpu.memref_squeeze %dma_wait3A_157 : memref<1x!tpu.dma_semaphore, #tpu.memory_space<semaphore_mem>> -> memref<!tpu.dma_semaphore, #tpu.memory_space<semaphore_mem>>
    tpu.wait_indirect_dma semaphore(%dma_wait3A_158 : memref<!tpu.dma_semaphore, #tpu.memory_space<semaphore_mem>>) src(%dma_wait3A_156 : memref<1048576x128xf32, #tpu.memory_space<hbm>>) dst(%dma_wait3A_150 : memref<128x128xf32, #tpu.memory_space<vmem>>)
    %gt3A = arith.constant 0 : i32
    %gt3A_159 = arith.cmpi sgt, %reduce_max3A_111, %gt3A : i32
    %convert_element_type3A = arith.extui %gt3A_159 : i1 to i32
    %cond3A = arith.constant 0 : i32
    %cond3A_160 = arith.cmpi ne, %convert_element_type3A, %cond3A : i32
    scf.if %cond3A_160 {
      %scan3A_186 = arith.constant 0 : i32
      %scan3A_187 = arith.constant 0 : i32
      %scan3A_188 = arith.constant 16 : i32
      %scan3A_189 = arith.addi %scan3A_187, %scan3A_188 : i32
      %scan3A_190 = arith.constant 1 : i32
      scf.for %scan3A_192 = %scan3A_187 to %scan3A_189 step %scan3A_190  : i32 {
        %add3A_193 = arith.constant 16 : i32
        %add3A_194 = arith.addi %scan3A_192, %add3A_193 : i32
        %broadcast_in_dim3A_195 = vector.broadcast %add3A_194 : i32 to vector<16xi32>
        %gather3A_196 = tpu.vector_load_idx %arg16[%broadcast_in_dim3A_195] : memref<48xi32, #tpu.memory_space<vmem>>[vector<16xi32>], vector<16xi32>,
        %ge3A_197 = arith.constant 0 : i32
        %ge3A_198 = vector.broadcast %ge3A_197 : i32 to vector<16xi32>
        %ge3A_199 = arith.cmpi sge, %gather3A_196, %ge3A_198 : vector<16xi32>
        %lt3A_200 = arith.constant 8 : i32
        %lt3A_201 = vector.broadcast %lt3A_200 : i32 to vector<16xi32>
        %lt3A_202 = arith.cmpi slt, %gather3A_196, %lt3A_201 : vector<16xi32>
        %and3A_203 = arith.andi %ge3A_199, %lt3A_202 : vector<16xi1>
        %mul3A_204 = arith.constant 8 : i32
        %mul3A_205 = arith.muli %scan3A_192, %mul3A_204 : i32
        %jit3A_206 = arith.constant 0 : i32
        %broadcast_in_dim3A_207 = vector.broadcast %jit3A_206 : i32 to vector<16xi32>
        %select_n3A_208 = arith.select %and3A_203, %gather3A_196, %broadcast_in_dim3A_207 : vector<16xi1>, vector<16xi32>
        %add3A_209 = vector.broadcast %mul3A_205 : i32 to vector<16xi32>
        %add3A_210 = arith.addi %add3A_209, %select_n3A_208 : vector<16xi32>
        %broadcast_in_dim3A_211 = vector.broadcast %scan3A_192 : i32 to vector<16xi32>
        %add3A_212 = arith.constant 0 : i32
        %add3A_213 = vector.broadcast %add3A_212 : i32 to vector<16xi32>
        %add3A_214 = arith.addi %iota3A, %add3A_213 : vector<16xi32>
        %gather3A_215 = tpu.vector_load_idx %arg15[%broadcast_in_dim3A_211, %add3A_214] : memref<32x128xf32, #tpu.memory_space<vmem>>[vector<16xi32>, vector<16xi32>], vector<16xf32>,
        tpu.vector_store_idx %arg14[%add3A_210, %add3A_214], %gather3A_215 masked %and3A_203 : memref<256x128xf32, #tpu.memory_space<vmem>>[vector<16xi32>, vector<16xi32>], vector<16xf32>, vector<16xi1>
        %add3A_216 = arith.constant 16 : i32
        %add3A_217 = vector.broadcast %add3A_216 : i32 to vector<16xi32>
        %add3A_218 = arith.addi %iota3A, %add3A_217 : vector<16xi32>
        %gather3A_219 = tpu.vector_load_idx %arg15[%broadcast_in_dim3A_211, %add3A_218] : memref<32x128xf32, #tpu.memory_space<vmem>>[vector<16xi32>, vector<16xi32>], vector<16xf32>,
        tpu.vector_store_idx %arg14[%add3A_210, %add3A_218], %gather3A_219 masked %and3A_203 : memref<256x128xf32, #tpu.memory_space<vmem>>[vector<16xi32>, vector<16xi32>], vector<16xf32>, vector<16xi1>
        %add3A_220 = arith.constant 32 : i32
        %add3A_221 = vector.broadcast %add3A_220 : i32 to vector<16xi32>
        %add3A_222 = arith.addi %iota3A, %add3A_221 : vector<16xi32>
        %gather3A_223 = tpu.vector_load_idx %arg15[%broadcast_in_dim3A_211, %add3A_222] : memref<32x128xf32, #tpu.memory_space<vmem>>[vector<16xi32>, vector<16xi32>], vector<16xf32>,
        tpu.vector_store_idx %arg14[%add3A_210, %add3A_222], %gather3A_223 masked %and3A_203 : memref<256x128xf32, #tpu.memory_space<vmem>>[vector<16xi32>, vector<16xi32>], vector<16xf32>, vector<16xi1>
        %add3A_224 = arith.constant 48 : i32
        %add3A_225 = vector.broadcast %add3A_224 : i32 to vector<16xi32>
        %add3A_226 = arith.addi %iota3A, %add3A_225 : vector<16xi32>
        %gather3A_227 = tpu.vector_load_idx %arg15[%broadcast_in_dim3A_211, %add3A_226] : memref<32x128xf32, #tpu.memory_space<vmem>>[vector<16xi32>, vector<16xi32>], vector<16xf32>,
        tpu.vector_store_idx %arg14[%add3A_210, %add3A_226], %gather3A_227 masked %and3A_203 : memref<256x128xf32, #tpu.memory_space<vmem>>[vector<16xi32>, vector<16xi32>], vector<16xf32>, vector<16xi1>
        %add3A_228 = arith.constant 64 : i32
        %add3A_229 = vector.broadcast %add3A_228 : i32 to vector<16xi32>
        %add3A_230 = arith.addi %iota3A, %add3A_229 : vector<16xi32>
        %gather3A_231 = tpu.vector_load_idx %arg15[%broadcast_in_dim3A_211, %add3A_230] : memref<32x128xf32, #tpu.memory_space<vmem>>[vector<16xi32>, vector<16xi32>], vector<16xf32>,
        tpu.vector_store_idx %arg14[%add3A_210, %add3A_230], %gather3A_231 masked %and3A_203 : memref<256x128xf32, #tpu.memory_space<vmem>>[vector<16xi32>, vector<16xi32>], vector<16xf32>, vector<16xi1>
        %add3A_232 = arith.constant 80 : i32
        %add3A_233 = vector.broadcast %add3A_232 : i32 to vector<16xi32>
        %add3A_234 = arith.addi %iota3A, %add3A_233 : vector<16xi32>
        %gather3A_235 = tpu.vector_load_idx %arg15[%broadcast_in_dim3A_211, %add3A_234] : memref<32x128xf32, #tpu.memory_space<vmem>>[vector<16xi32>, vector<16xi32>], vector<16xf32>,
        tpu.vector_store_idx %arg14[%add3A_210, %add3A_234], %gather3A_235 masked %and3A_203 : memref<256x128xf32, #tpu.memory_space<vmem>>[vector<16xi32>, vector<16xi32>], vector<16xf32>, vector<16xi1>
        %add3A_236 = arith.constant 96 : i32
        %add3A_237 = vector.broadcast %add3A_236 : i32 to vector<16xi32>
        %add3A_238 = arith.addi %iota3A, %add3A_237 : vector<16xi32>
        %gather3A_239 = tpu.vector_load_idx %arg15[%broadcast_in_dim3A_211, %add3A_238] : memref<32x128xf32, #tpu.memory_space<vmem>>[vector<16xi32>, vector<16xi32>], vector<16xf32>,
        tpu.vector_store_idx %arg14[%add3A_210, %add3A_238], %gather3A_239 masked %and3A_203 : memref<256x128xf32, #tpu.memory_space<vmem>>[vector<16xi32>, vector<16xi32>], vector<16xf32>, vector<16xi1>
        %add3A_240 = arith.constant 112 : i32
        %add3A_241 = vector.broadcast %add3A_240 : i32 to vector<16xi32>
        %add3A_242 = arith.addi %iota3A, %add3A_241 : vector<16xi32>
        %gather3A_243 = tpu.vector_load_idx %arg15[%broadcast_in_dim3A_211, %add3A_242] : memref<32x128xf32, #tpu.memory_space<vmem>>[vector<16xi32>, vector<16xi32>], vector<16xf32>,
        tpu.vector_store_idx %arg14[%add3A_210, %add3A_242], %gather3A_243 masked %and3A_203 : memref<256x128xf32, #tpu.memory_space<vmem>>[vector<16xi32>, vector<16xi32>], vector<16xf32>, vector<16xi1>
      }
      %scan3A_191 = arith.constant 16 : i32
    } else {
    }
    %dma_wait3A_161 = arith.constant 1 : i32
    %dma_wait3A_162 = arith.constant 6 : i32
    %dma_wait3A_163 = arith.constant 128 : i32
    %dma_wait3A_164 = arith.constant 0 : i32
    %dma_wait3A_165 = tpu.memref_slice %arg14[%dma_wait3A_163, %dma_wait3A_164] : memref<256x128xf32, #tpu.memory_space<vmem>> -> memref<128x128xf32, #tpu.memory_space<vmem>>
    %dma_wait3A_166 = arith.constant 0 : i32
    %dma_wait3A_167 = tpu.memref_slice %arg13[%dma_wait3A_161, %dma_wait3A_166] : memref<2x128xi32, #tpu.memory_space<vmem>> -> memref<1x128xi32, #tpu.memory_space<vmem>>
    %dma_wait3A_168 = tpu.memref_squeeze %dma_wait3A_167 : memref<1x128xi32, #tpu.memory_space<vmem>> -> memref<128xi32, #tpu.memory_space<vmem>>
    %dma_wait3A_169 = arith.constant 0 : i32
    %dma_wait3A_170 = arith.constant 0 : i32
    %dma_wait3A_171 = tpu.memref_slice %arg2[%dma_wait3A_169, %dma_wait3A_170] : memref<1048576x128xf32, #tpu.memory_space<hbm>> -> memref<1048576x128xf32, #tpu.memory_space<hbm>>
    %dma_wait3A_172 = tpu.memref_slice %arg18[%dma_wait3A_162] : memref<7x!tpu.dma_semaphore, #tpu.memory_space<semaphore_mem>> -> memref<1x!tpu.dma_semaphore, #tpu.memory_space<semaphore_mem>>
    %dma_wait3A_173 = tpu.memref_squeeze %dma_wait3A_172 : memref<1x!tpu.dma_semaphore, #tpu.memory_space<semaphore_mem>> -> memref<!tpu.dma_semaphore, #tpu.memory_space<semaphore_mem>>
    tpu.wait_indirect_dma semaphore(%dma_wait3A_173 : memref<!tpu.dma_semaphore, #tpu.memory_space<semaphore_mem>>) src(%dma_wait3A_171 : memref<1048576x128xf32, #tpu.memory_space<hbm>>) dst(%dma_wait3A_165 : memref<128x128xf32, #tpu.memory_space<vmem>>)
    %gt3A_174 = arith.constant 0 : i32
    %gt3A_175 = arith.cmpi sgt, %reduce_max3A_139, %gt3A_174 : i32
    %convert_element_type3A_176 = arith.extui %gt3A_175 : i1 to i32
    %cond3A_177 = arith.constant 0 : i32
    %cond3A_178 = arith.cmpi ne, %convert_element_type3A_176, %cond3A_177 : i32
    scf.if %cond3A_178 {
      %scan3A_186 = arith.constant 0 : i32
      %scan3A_187 = arith.constant 16 : i32
      %scan3A_188 = arith.constant 16 : i32
      %scan3A_189 = arith.addi %scan3A_187, %scan3A_188 : i32
      %scan3A_190 = arith.constant 1 : i32
      scf.for %scan3A_192 = %scan3A_187 to %scan3A_189 step %scan3A_190  : i32 {
        %add3A_193 = arith.constant 16 : i32
        %add3A_194 = arith.addi %scan3A_192, %add3A_193 : i32
        %broadcast_in_dim3A_195 = vector.broadcast %add3A_194 : i32 to vector<16xi32>
        %gather3A_196 = tpu.vector_load_idx %arg16[%broadcast_in_dim3A_195] : memref<48xi32, #tpu.memory_space<vmem>>[vector<16xi32>], vector<16xi32>,
        %ge3A_197 = arith.constant 0 : i32
        %ge3A_198 = vector.broadcast %ge3A_197 : i32 to vector<16xi32>
        %ge3A_199 = arith.cmpi sge, %gather3A_196, %ge3A_198 : vector<16xi32>
        %lt3A_200 = arith.constant 8 : i32
        %lt3A_201 = vector.broadcast %lt3A_200 : i32 to vector<16xi32>
        %lt3A_202 = arith.cmpi slt, %gather3A_196, %lt3A_201 : vector<16xi32>
        %and3A_203 = arith.andi %ge3A_199, %lt3A_202 : vector<16xi1>
        %mul3A_204 = arith.constant 8 : i32
        %mul3A_205 = arith.muli %scan3A_192, %mul3A_204 : i32
        %jit3A_206 = arith.constant 0 : i32
        %broadcast_in_dim3A_207 = vector.broadcast %jit3A_206 : i32 to vector<16xi32>
        %select_n3A_208 = arith.select %and3A_203, %gather3A_196, %broadcast_in_dim3A_207 : vector<16xi1>, vector<16xi32>
        %add3A_209 = vector.broadcast %mul3A_205 : i32 to vector<16xi32>
        %add3A_210 = arith.addi %add3A_209, %select_n3A_208 : vector<16xi32>
        %broadcast_in_dim3A_211 = vector.broadcast %scan3A_192 : i32 to vector<16xi32>
        %add3A_212 = arith.constant 0 : i32
        %add3A_213 = vector.broadcast %add3A_212 : i32 to vector<16xi32>
        %add3A_214 = arith.addi %iota3A, %add3A_213 : vector<16xi32>
        %gather3A_215 = tpu.vector_load_idx %arg15[%broadcast_in_dim3A_211, %add3A_214] : memref<32x128xf32, #tpu.memory_space<vmem>>[vector<16xi32>, vector<16xi32>], vector<16xf32>,
        tpu.vector_store_idx %arg14[%add3A_210, %add3A_214], %gather3A_215 masked %and3A_203 : memref<256x128xf32, #tpu.memory_space<vmem>>[vector<16xi32>, vector<16xi32>], vector<16xf32>, vector<16xi1>
        %add3A_216 = arith.constant 16 : i32
        %add3A_217 = vector.broadcast %add3A_216 : i32 to vector<16xi32>
        %add3A_218 = arith.addi %iota3A, %add3A_217 : vector<16xi32>
        %gather3A_219 = tpu.vector_load_idx %arg15[%broadcast_in_dim3A_211, %add3A_218] : memref<32x128xf32, #tpu.memory_space<vmem>>[vector<16xi32>, vector<16xi32>], vector<16xf32>,
        tpu.vector_store_idx %arg14[%add3A_210, %add3A_218], %gather3A_219 masked %and3A_203 : memref<256x128xf32, #tpu.memory_space<vmem>>[vector<16xi32>, vector<16xi32>], vector<16xf32>, vector<16xi1>
        %add3A_220 = arith.constant 32 : i32
        %add3A_221 = vector.broadcast %add3A_220 : i32 to vector<16xi32>
        %add3A_222 = arith.addi %iota3A, %add3A_221 : vector<16xi32>
        %gather3A_223 = tpu.vector_load_idx %arg15[%broadcast_in_dim3A_211, %add3A_222] : memref<32x128xf32, #tpu.memory_space<vmem>>[vector<16xi32>, vector<16xi32>], vector<16xf32>,
        tpu.vector_store_idx %arg14[%add3A_210, %add3A_222], %gather3A_223 masked %and3A_203 : memref<256x128xf32, #tpu.memory_space<vmem>>[vector<16xi32>, vector<16xi32>], vector<16xf32>, vector<16xi1>
        %add3A_224 = arith.constant 48 : i32
        %add3A_225 = vector.broadcast %add3A_224 : i32 to vector<16xi32>
        %add3A_226 = arith.addi %iota3A, %add3A_225 : vector<16xi32>
        %gather3A_227 = tpu.vector_load_idx %arg15[%broadcast_in_dim3A_211, %add3A_226] : memref<32x128xf32, #tpu.memory_space<vmem>>[vector<16xi32>, vector<16xi32>], vector<16xf32>,
        tpu.vector_store_idx %arg14[%add3A_210, %add3A_226], %gather3A_227 masked %and3A_203 : memref<256x128xf32, #tpu.memory_space<vmem>>[vector<16xi32>, vector<16xi32>], vector<16xf32>, vector<16xi1>
        %add3A_228 = arith.constant 64 : i32
        %add3A_229 = vector.broadcast %add3A_228 : i32 to vector<16xi32>
        %add3A_230 = arith.addi %iota3A, %add3A_229 : vector<16xi32>
        %gather3A_231 = tpu.vector_load_idx %arg15[%broadcast_in_dim3A_211, %add3A_230] : memref<32x128xf32, #tpu.memory_space<vmem>>[vector<16xi32>, vector<16xi32>], vector<16xf32>,
        tpu.vector_store_idx %arg14[%add3A_210, %add3A_230], %gather3A_231 masked %and3A_203 : memref<256x128xf32, #tpu.memory_space<vmem>>[vector<16xi32>, vector<16xi32>], vector<16xf32>, vector<16xi1>
        %add3A_232 = arith.constant 80 : i32
        %add3A_233 = vector.broadcast %add3A_232 : i32 to vector<16xi32>
        %add3A_234 = arith.addi %iota3A, %add3A_233 : vector<16xi32>
        %gather3A_235 = tpu.vector_load_idx %arg15[%broadcast_in_dim3A_211, %add3A_234] : memref<32x128xf32, #tpu.memory_space<vmem>>[vector<16xi32>, vector<16xi32>], vector<16xf32>,
        tpu.vector_store_idx %arg14[%add3A_210, %add3A_234], %gather3A_235 masked %and3A_203 : memref<256x128xf32, #tpu.memory_space<vmem>>[vector<16xi32>, vector<16xi32>], vector<16xf32>, vector<16xi1>
        %add3A_236 = arith.constant 96 : i32
        %add3A_237 = vector.broadcast %add3A_236 : i32 to vector<16xi32>
        %add3A_238 = arith.addi %iota3A, %add3A_237 : vector<16xi32>
        %gather3A_239 = tpu.vector_load_idx %arg15[%broadcast_in_dim3A_211, %add3A_238] : memref<32x128xf32, #tpu.memory_space<vmem>>[vector<16xi32>, vector<16xi32>], vector<16xf32>,
        tpu.vector_store_idx %arg14[%add3A_210, %add3A_238], %gather3A_239 masked %and3A_203 : memref<256x128xf32, #tpu.memory_space<vmem>>[vector<16xi32>, vector<16xi32>], vector<16xf32>, vector<16xi1>
        %add3A_240 = arith.constant 112 : i32
        %add3A_241 = vector.broadcast %add3A_240 : i32 to vector<16xi32>
        %add3A_242 = arith.addi %iota3A, %add3A_241 : vector<16xi32>
        %gather3A_243 = tpu.vector_load_idx %arg15[%broadcast_in_dim3A_211, %add3A_242] : memref<32x128xf32, #tpu.memory_space<vmem>>[vector<16xi32>, vector<16xi32>], vector<16xf32>,
        tpu.vector_store_idx %arg14[%add3A_210, %add3A_242], %gather3A_243 masked %and3A_203 : memref<256x128xf32, #tpu.memory_space<vmem>>[vector<16xi32>, vector<16xi32>], vector<16xf32>, vector<16xi1>
      }
      %scan3A_191 = arith.constant 16 : i32
    } else {
    }
    %mul3A_179 = arith.constant 256 : i32
    %mul3A_180 = arith.muli %add3A, %mul3A_179 : i32
    "tpu.region"() ({
      %run_scoped3A = tpu.sem_alloc : memref<!tpu.dma_semaphore, #tpu.memory_space<semaphore_mem>>
      %dma_start3A_186 = arith.constant 0 : i32
      %dma_start3A_187 = tpu.memref_slice %arg7[%mul3A_180, %dma_start3A_186] : memref<8192x128xf32, #tpu.memory_space<hbm>> -> memref<256x128xf32, #tpu.memory_space<hbm>>
      %dma_start3A_188 = arith.constant 0 : i32
      %dma_start3A_189 = tpu.memref_slice %arg7[%mul3A_180, %dma_start3A_188] : memref<8192x128xf32, #tpu.memory_space<hbm>> -> memref<256x128xf32, #tpu.memory_space<hbm>>
      tpu.enqueue_dma source(%arg14 : memref<256x128xf32, #tpu.memory_space<vmem>>) target(%dma_start3A_189 : memref<256x128xf32, #tpu.memory_space<hbm>>) target_semaphore(%run_scoped3A : memref<!tpu.dma_semaphore, #tpu.memory_space<semaphore_mem>>)
      %dma_wait3A_190 = arith.constant 0 : i32
      %dma_wait3A_191 = tpu.memref_slice %arg7[%mul3A_180, %dma_wait3A_190] : memref<8192x128xf32, #tpu.memory_space<hbm>> -> memref<256x128xf32, #tpu.memory_space<hbm>>
      %dma_wait3A_192 = arith.constant 0 : i32
      %dma_wait3A_193 = tpu.memref_slice %arg7[%mul3A_180, %dma_wait3A_192] : memref<8192x128xf32, #tpu.memory_space<hbm>> -> memref<256x128xf32, #tpu.memory_space<hbm>>
      tpu.wait_dma2 semaphore(%run_scoped3A : memref<!tpu.dma_semaphore, #tpu.memory_space<semaphore_mem>>) src(%arg14 : memref<256x128xf32, #tpu.memory_space<vmem>>) dst(%dma_wait3A_193 : memref<256x128xf32, #tpu.memory_space<hbm>>)
      tpu.yield
    }) : () -> ()
    %dma_wait3A_181 = arith.constant 4 : i32
    %dma_wait3A_182 = tpu.memref_slice %arg8[%mul3A_2] : memref<1024xf32, #tpu.memory_space<hbm>> -> memref<32xf32, #tpu.memory_space<hbm>>
    %dma_wait3A_183 = tpu.memref_slice %arg18[%dma_wait3A_181] : memref<7x!tpu.dma_semaphore, #tpu.memory_space<semaphore_mem>> -> memref<1x!tpu.dma_semaphore, #tpu.memory_space<semaphore_mem>>
    %dma_wait3A_184 = tpu.memref_squeeze %dma_wait3A_183 : memref<1x!tpu.dma_semaphore, #tpu.memory_space<semaphore_mem>> -> memref<!tpu.dma_semaphore, #tpu.memory_space<semaphore_mem>>
    %dma_wait3A_185 = tpu.memref_slice %arg8[%mul3A_2] : memref<1024xf32, #tpu.memory_space<hbm>> -> memref<32xf32, #tpu.memory_space<hbm>>
    tpu.wait_dma2 semaphore(%dma_wait3A_184 : memref<!tpu.dma_semaphore, #tpu.memory_space<semaphore_mem>>) src(%arg17 : memref<32xf32, #tpu.memory_space<vmem>>) dst(%dma_wait3A_185 : memref<32xf32, #tpu.memory_space<hbm>>)
    return
  }
}

</mosaic_0001>

<sc_bundles>
// kernel: _replay.3.cloned.1.call-start
scs
__scs_entry_jumppad:
0x0: {  	(pc) =	sbr.rel $0x88, $3  }
0x1: {  	(tag) =	ssettag $0x0;
	lr =	simm.s32 $0x1  }
0x2: {  	[smem:$0x3F9C] =	sst lr;
	_ =	strace $0xD0000000  }
0x3: {  	_ = 	snop  }
0x4: {  	_ = 	snop  }
0x5: {  	_ = 	snop  }
0x6: {  	_ = 	snop  }
0x7: {  	_ = 	snop  }
__scs_overlays_trampoline_lowered:
0x8: {  	[smem:$0x3FAB] =	sst s0  }
0x9: {  	[smem:$0x3FAC] =	sst s1  }
0xa: {  	[smem:$0x3FAD] =	sst s2  }
0xb: {  	[smem:$0x3FAE] =	sst s3  }
0xc: {  	[smem:$0x3FAF] =	sst s4  }
0xd: {  	[smem:$0x3FB0] =	sst s5  }
0xe: {  	[smem:$0x3FB1] =	sst s6  }
0xf: {  	[smem:$0x3FB2] =	sst s7  }
0x10: {  	[smem:$0x3FB3] =	sst s8  }
0x11: {  	[smem:$0x3FB4] =	sst s9;
	s0 =	simm.s32 @!p0 $0x0  }
0x12: {  	s1 =	sld [smem:$0x3F9A];
	s0 =	simm.s32 @p0 $0x1  }
0x13: {  	[smem:$0x3FB5] =	sst s0;
	s0 =	simm.s32 @!p1 $0x0  }
0x14: {  	s2 =	sld [smem:$0x3F99];
	s0 =	simm.s32 @p1 $0x1  }
0x15: {  	[smem:$0x3FB6] =	sst s0;
	s0 =	simm.s32 @!p2 $0x0  }
0x16: {  	s3 =	sld [smem:$0x3FDB];
	s0 =	simm.s32 @p2 $0x1  }
0x17: {  	s4 =	simm.s32 $0x1BF5;
	[smem:$0x3FB8] =	sst s0  }
0x18: {  	s0 =	sld [smem:$0x3F9B];
	_ =	swait.ge [sflag:s4], $0x0  }
0x19: {  	s7 =	sld [smem:$0x3F9C]  }
0x1a: {  	s8 =	sadd.s32 $0xFFFFE003, lr  }
0x1b: {  	s9 =	sadd.s32 $0xFFFFFEF7, lr;
	s5 =	simm.s32 $0xFFFFFFFF;
	p2 =	slt.u32 s8, $0xFFFFF086  }
0x1c: {  	p1 =	slt.u32 s9, $0xF7A;
	s5 =	simm.s32 @!p2 $0x0  }
0x1d: {  	s5 =	simm.s32 @p1 $0x1;
	p0 =	seq.s32 s7, s2  }
0x1e: {  	s7 =	smul.u32 @!p0 $0xF7A, s2;
	p2 =	seq.s32 @!p0 s5, $0x0  }
0x1f: {  	s9 =	smul.u32 $0xF7A, s1;
	s8 =	simm.s32 @!p0 $0x1BF5;
	p2 =	por !p2, p0  }
0x20: {  	[sflag:s8] =	ssyncset.s32 @!p0 $0xFFFFF086;
	s6 =	sadd.s32 @!p0 s3, s7;
	s7 =	simm.s32 @!p0 $0x108  }
0x21: {  	s3 =	sadd.s32 s3, s9;
	s6 =	sadd.s32 @!p0 $0x88, s6;
	s7 =	simm.s32 @p2 $0x1082  }
0x22: {  	[simem:s7], [sflag:s8] =	dma.local @!p0 [hbm:s6], $0xF7A  }
0x23: {  	s9 =	sor.u32 $0xD0000000, s2;
	s6 =	simm.s32 $0x108;
	_ =	swait.ge @!p0 [sflag:s8], $0x0  }
0x24: {  	s3 =	sadd.s32 $0x88, s3;
	s6 =	simm.s32 @!p1 $0x1082;
	[sflag:s4] =	ssyncset.s32 $0xFFFFF086  }
0x25: {  	[simem:s6], [sflag:s4] =	dma.local [hbm:s3], $0xF7A  }
0x26: {  	[smem:$0x3F9C] =	sst s1;
	(tag) =	ssettag s2;
	_ =	strace s9  }
0x27: {  	s1 =	sld [smem:$0x3FAC]  }
0x28: {  	s2 =	sld [smem:$0x3FAD]  }
0x29: {  	s4 =	sld [smem:$0x3FAF]  }
0x2a: {  	p0 =	seq.s32 s5, $0x0;
	s5 =	sld [smem:$0x3FB0]  }
0x2b: {  	s6 =	sld [smem:$0x3FB1]  }
0x2c: {  	s7 =	sld [smem:$0x3FB2]  }
0x2d: {  	s3 =	simm.s32 $0x108;
	s8 =	sld [smem:$0x3FB3]  }
0x2e: {  	s3 =	simm.s32 @!p0 $0x1082;
	s9 =	sld [smem:$0x3FB4]  }
0x2f: {  	lr =	sadd.s32 s0, s3;
	s0 =	sld [smem:$0x3FAB]  }
0x30: {  	s3 =	sld [smem:$0x3FAE]  }
0x31: {  	[smem:$0x3FB7] =	sst s10  }
0x32: {  	s10 =	sld [smem:$0x3FB5];
	_ =	sdelay $0x3  }
0x33: {  	p0 =	seq.s32 s10, $0x1;
	s10 =	sld [smem:$0x3FB7];
	_ =	sdelay $0x3  }
0x34: {  	[smem:$0x3FB7] =	sst s10  }
0x35: {  	s10 =	sld [smem:$0x3FB6];
	_ =	sdelay $0x3  }
0x36: {  	p1 =	seq.s32 s10, $0x1;
	s10 =	sld [smem:$0x3FB7];
	_ =	sdelay $0x3  }
0x37: {  	[smem:$0x3FB7] =	sst s10  }
0x38: {  	s10 =	sld [smem:$0x3FB8]  }
0x39: {  	_ = 	snop;
	(pc) =	sbr.ind lr, $3  }
0x3a: {  	_ = 	snop  }
0x3b: {  	_ = 	snop  }
0x3c: {  	p2 =	seq.s32 s10, $0x1;
	s10 =	sld [smem:$0x3FB7]  }
0x3d: {  	_ =	shalt  }
0x3e: {  	_ =	shalt  }
0x3f: {  	_ =	shalt  }
0x40: {  	_ =	shalt  }
0x41: {  	_ =	shalt  }
0x42: {  	_ =	shalt  }
0x43: {  	_ =	shalt  }
0x44: {  	_ =	shalt  }
0x45: {  	_ =	shalt  }
0x46: {  	_ =	shalt  }
0x47: {  	_ =	shalt  }
0x48: {  	_ =	shalt  }
0x49: {  	_ =	shalt  }
0x4a: {  	_ =	shalt  }
0x4b: {  	_ =	shalt  }
0x4c: {  	_ =	shalt  }
0x4d: {  	_ =	shalt  }
0x4e: {  	_ =	shalt  }
0x4f: {  	_ =	shalt  }
0x50: {  	_ =	shalt  }
0x51: {  	_ =	shalt  }
0x52: {  	_ =	shalt  }
0x53: {  	_ =	shalt  }
0x54: {  	_ =	shalt  }
0x55: {  	_ =	shalt  }
0x56: {  	_ =	shalt  }
0x57: {  	_ =	shalt  }
0x58: {  	_ =	shalt  }
0x59: {  	_ =	shalt  }
0x5a: {  	_ =	shalt  }
0x5b: {  	_ =	shalt  }
0x5c: {  	_ =	shalt  }
0x5d: {  	_ =	shalt  }
0x5e: {  	_ =	shalt  }
0x5f: {  	_ =	shalt  }
0x60: {  	_ =	shalt  }
0x61: {  	_ =	shalt  }
0x62: {  	_ =	shalt  }
0x63: {  	_ =	shalt  }
0x64: {  	_ =	shalt  }
0x65: {  	_ =	shalt  }
0x66: {  	_ =	shalt  }
0x67: {  	_ =	shalt  }
0x68: {  	_ =	shalt  }
0x69: {  	_ =	shalt  }
0x6a: {  	_ =	shalt  }
0x6b: {  	_ =	shalt  }
0x6c: {  	_ =	shalt  }
0x6d: {  	_ =	shalt  }
0x6e: {  	_ =	shalt  }
0x6f: {  	_ =	shalt  }
0x70: {  	_ =	shalt  }
0x71: {  	_ =	shalt  }
0x72: {  	_ =	shalt  }
0x73: {  	_ =	shalt  }
0x74: {  	_ =	shalt  }
0x75: {  	_ =	shalt  }
0x76: {  	_ =	shalt  }
0x77: {  	_ =	shalt  }
0x78: {  	_ =	shalt  }
0x79: {  	_ =	shalt  }
0x7a: {  	_ =	shalt  }
0x7b: {  	_ =	shalt  }
0x7c: {  	_ =	shalt  }
0x7d: {  	_ =	shalt  }
0x7e: {  	_ =	shalt  }
0x7f: {  	_ =	shalt  }
0x80: {  	_ =	shalt  }
0x81: {  	_ =	shalt  }
0x82: {  	_ =	shalt  }
0x83: {  	_ =	shalt  }
0x84: {  	_ =	shalt  }
0x85: {  	_ =	shalt  }
0x86: {  	_ =	shalt  }
0x87: {  	_ =	shalt  }
.Lfunc_end0:
.L_simem_size_0:
called_computation_lowered:
.L_overlay_start_0:
0x88: {  	s2 =	sld [smem:$0x3FD9]  }
0x89: {  	s3 =	sld [smem:$0x3FFE];
	_ =	sdelay $0x1  }
0x8a: {  	s1 =	srdreg.scid  }
0x8b: {  	s0 =	sand.u32 $0x1, s1  }
0x8c: {  	s15 =	sshll.u32 s0, $0xA;
	s2 =	sadd.s32 s3, s2  }
0x8d: {  	s2 =	sadd.s32 s2, s15  }
0x8e: {  	[smem:$0x3FC3] =	sst s2  }
0x8f: {  	_ = 	snop  }
0x90: {  	s2 =	sld [smem:$0x3FC9]  }
0x91: {  	s16 =	sld [smem:$0x3FC8]  }
0x92: {  	s4 =	sld [smem:$0x3FD0]  }
0x93: {  	s5 =	sld [smem:$0x3FC7]  }
0x94: {  	s6 =	sld [smem:$0x3FC6]  }
0x95: {  	s8 =	simm.s32 $0xA;
	s9 =	simm.s32 $0x10;
	s7 =	sld [smem:$0x3FC5]  }
0x96: {  	[smem:s9], [sflag:s8] =	dma.local [hbm:s4], $0x1  }
0x97: {  	_ =	swait.eq [sflag:s8], $0x1  }
0x98: {  	[sflag:s8] =	ssyncset.done $0x0  }
0x99: {  	s17 =	sld [smem:$0x10];
	[sflag:s8] =	ssyncadd.s32 $0xFFFFFFFF  }
0x9a: {  	s18 =	sld [smem:$0x11];
	(tm) =	ssettm $0x1  }
0x9b: {  	s19 =	sld [smem:$0x3FFB];
	_ =	sdelay $0x3  }
0x9c: {  	_ =	strace s19  }
0x9d: {  	s9 =	sld [smem:$0x3FFC];
	_ =	sdelay $0x3  }
0x9e: {  	_ =	strace s9  }
0x9f: {  	s9 =	sld [smem:$0x3FFD];
	_ =	sdelay $0x3  }
0xa0: {  	_ =	strace s9  }
0xa1: {  	_ =	strace $0x8FFFFFFF  }
0xa2: {  	s20 =	sld [smem:$0x3FDB];
	_ =	sdelay $0x1  }
0xa3: {  	s10 =	simm.s32 $_scs_section_size  }
0xa4: {  	s11 =	simm.s32 $_size__tile_overlayer_lowered;
	s12 =	simm.s32 $_tile_overlayer_lowered  }
0xa5: {  	s23 =	simm.s32 $0x1BFF;
	s22 =	sshll.u32 s12, $0x1;
	s9 =	sadd.s32 s10, s20  }
0xa6: {  	s13 =	simm.s32 $0x0;
	s21 =	sshll.u32 s11, $0x1;
	s11 =	sadd.s32 s22, s9  }
0xa7: {  	[timem:s13], [sflag:s23] =	dma.local [hbm:s11], s21  }
0xa8: {  	_ =	swait.ge [sflag:s23], s21  }
0xa9: {  	s10 =	ssub.s32 $0x0, s21;
	[sflag:s23] =	ssyncset.done $0x0  }
0xaa: {  	[sflag:s23] =	ssyncadd.s32 s10;
	_ =	sdelay $0x1  }
0xab: {  	s24 =	simm.s32 $0x1B8B  }
0xac: {  	_ =	swait.ge [sflag:s24], $0x1  }
0xad: {  	[sflag:s24] =	ssyncset.done $0x0  }
0xae: {  	s25 =	simm.s32 $0x1B8E;
	[sflag:s24] =	ssyncadd.s32 $0xFFFFFFFF  }
0xaf: {  	s26 =	simm.s32 $execute0_lowered;
	[smem:$0x3FD2] =	sst s25  }
0xb0: {  	s10 =	sshll.u32 s26, $0x1;
	_ =	strace $0x80000046;
	[dreg:$0x1] =	wrdreg $0xFFFFFFFF  }
0xb1: {  	s28 =	simm.s32 $_size_execute0_lowered;
	s9 =	sadd.s32 s9, s10;
	[dreg:$0x0] =	wrdreg $0x0  }
0xb2: {  	s10 =	sshll.u32 s28, $0x1;
	[dreg:$0x2] =	wrdreg s9  }
0xb3: {  	[dreg:$0x3] =	wrdreg s10  }
0xb4: {  	[dreg:$0x4] =	wrdreg $0xC0  }
0xb5: {  	_ =	task [dreg:s13], $0x5FFFF  }
0xb6: {  	[dreg:$0x1] =	wrdreg $0xFFFFFFFF  }
0xb7: {  	[dreg:$0x0] =	wrdreg $0x60  }
0xb8: {  	[dreg:$0x2] =	wrdreg s2  }
0xb9: {  	[dreg:$0x3] =	wrdreg s16  }
0xba: {  	[dreg:$0x4] =	wrdreg s5  }
0xbb: {  	[dreg:$0x5] =	wrdreg s6  }
0xbc: {  	[dreg:$0x6] =	wrdreg s7  }
0xbd: {  	[dreg:$0x7] =	wrdreg s17  }
0xbe: {  	[dreg:$0x8] =	wrdreg s18  }
0xbf: {  	[dreg:$0x9] =	wrdreg $0x9  }
0xc0: {  	_ =	task.clear_ibuf [dreg:s13], $0xAFFFF;
	_ =	strace $0x90000046  }
0xc1: {  	s29 =	simm.s32 $0x9;
	_ =	strace $0x80000048  }
0xc2: {  	_ =	swait.ge [sflag:s29], $0x1  }
0xc3: {  	[sflag:s29] =	ssyncadd.s32 $0xFFFFFFFF  }
0xc4: {  	_ =	strace $0x90000048  }
0xc5: {  	_ =	sfence  }
0xc6: {  	s30 =	sld [smem:$0x0];
	_ =	sdelay $0x2  }
0xc7: {  	s31 =	sshll.u32 s1, $0xD;
	s1 =	sshrl.u32 s1, $0x2  }
0xc8: {  	s3 =	sand.u32 $0x4000, s31;
	s1 =	sadd.s32 s1, s30  }
0xc9: {  	s0 =	sor.u32 s3, s0;
	s1 =	sshll.u32 s1, $0x11  }
0xca: {  	s0 =	sor.u32 s1, s0  }
0xcb: {  	s0 =	sadd.s32 $0x8F2B, s0  }
0xcc: {  	[sflag:s0] =	ssyncadd.remote.s32 $0x1  }
0xcd: {  	_ =	sfence.sel $0xFFFF  }
0xce: {  	[dreg:$0x0] =	wrdreg $0xFFFFFFFF;
	(pc) =	sbr.abs _section_cstart, $3  }
0xcf: {  	[dreg:$0x1] =	wrdreg $0xFFFFFFFF  }
0xd0: {  	_ =	task.clear_ibuf [dreg:s13], $0x2FFFF;
	_ =	strace $0x9FFFFFFF  }
0xd1: {  	(tm) =	ssettm $0x7FFFFFFF  }
tec
execute0_lowered:
.L_overlay_start_1:
0x0: {  	(tag) =	ssettag $0x1  }
0x1: {  	s0 =	rddreg [dreg:$0x0]  }
0x2: {  	s1 =	rddreg [dreg:$0x3]  }
0x3: {  	s2 =	rddreg [dreg:$0x4]  }
0x4: {  	s3 =	rddreg [dreg:$0x5]  }
0x5: {  	s4 =	rddreg [dreg:$0x6]  }
0x6: {  	s6 =	srdreg.scid;
	s7 =	stileid.u32;
	s5 =	simm.s32 $0x0  }
0x7: {  	s11 =	simm.s32 $0x80;
	s12 =	simm.s32 $0x100;
	s14 =	simm.s32 $0x1  }
0x8: {  	s16 =	simm.s32 $0x8480;
	s17 =	simm.s32 $0x2;
	s18 =	simm.s32 $0x300  }
0x9: {  	s20 =	simm.s32 $0x480;
	s21 =	simm.s32 $0x400;
	s22 =	simm.s32 $0x4480  }
0xa: {  	s23 =	simm.s32 $0x3;
	s24 =	simm.s32 $0x4;
	s28 =	simm.s32 $0x7  }
0xb: {  	s29 =	simm.s32 $0x8;
	s30 =	simm.s32 $0x5;
	s31 =	simm.s32 $0x0  }
0xc: {  	s6 =	sand.u32 $0x1, s6;
	s7 =	sshll.u32 s7, $0x1;
	[smem:$0x7FF] =	sst s5  }
.Ltmp0:
0xd: {  	s8 =	ssub.s32 $0x2, s6;
	s7 =	sor.u32 s6, s7;
	(pc) =	sbr.rel .LBB2_1-.Ltmp0, $4  }
0xe: {  	v0 =	vimm.f32 $1.000000000e+00;
	v1 =	vlaneseq.u32;
	_ =	strace $0x80000047;
	s25 =	sshrl.u32 s8, $0x1;
	s9 =	sshll.u32 s7, $0x2  }
0xf: {  	v3 =	vimm.s32 $0x0;
	v2 =	vand.u32 $0x7, v1;
	v4 =	vor.u32 $0x10, v1;
	s26 =	sshll.u32 s7, $0xC;
	s10 =	ssub.s32 s8, s25;
	s6 =	sadd.s32 s1, s9  }
0x10: {  	v5 =	vor.u32 $0x20, v1;
	v6 =	vor.u32 $0x30, v1;
	v7 =	vor.u32 $0x40, v1;
	s7 =	sadd.s32 s2, s9;
	s8 =	sadd.s32 s4, s9;
	s9 =	sadd.s32 s3, s26  }
0x11: {  	v8 =	vor.u32 $0x50, v1;
	v9 =	vor.u32 $0x60, v1;
	v10 =	vor.u32 $0x70, v1;
	s25 =	simm.s32 $0x6;
	s26 =	simm.s32 $0x9480;
	s10 =	smax.u32 s10, $0x1  }
.LBB2_10:
0x12: {  	_ =	sdelay $0x4  }
0x13: {  	[tilespmem:v13+s20+$0x0] =	vst.idx.msk vm0, v11  }
0x14: {  	v11 =	vld.idx.msk [tilespmem:v12+s26+$0x0], $0xffff;
	_ =	sdelay $0x2  }
0x15: {  	s2 =	sshll.u32 s2, $0x7  }
0x16: {  	v50 =	vor.u32 s2, v1  }
0x17: {  	vm15 =	vlt.u32 v11, $0x8  }
0x18: {  	v11 =	vnsel vm15, $0x0, v11  }
0x19: {  	v11 =	vadd.s32 s1, v11  }
0x1a: {  	v11 =	vshll.u32 v11, $0x7  }
0x1b: {  	v12 =	vld.idx.msk [tilespmem:v50+s16+$0x0], $0xffff;
	v51 =	vor.u32 v1, v11  }
0x1c: {  	v14 =	vor.u32 s2, v4;
	_ =	sdelay $0x3  }
0x1d: {  	[tilespmem:v51+s20+$0x0] =	vst.idx.msk vm15, v12  }
0x1e: {  	v52 =	vor.u32 v4, v11;
	v12 =	vld.idx.msk [tilespmem:v14+s16+$0x0], $0xffff  }
0x1f: {  	v53 =	vor.u32 s2, v5;
	_ =	sdelay $0x3  }
0x20: {  	[tilespmem:v52+s20+$0x0] =	vst.idx.msk vm15, v12  }
0x21: {  	v54 =	vor.u32 v5, v11;
	v12 =	vld.idx.msk [tilespmem:v53+s16+$0x0], $0xffff  }
0x22: {  	v55 =	vor.u32 s2, v6;
	_ =	sdelay $0x3  }
0x23: {  	[tilespmem:v54+s20+$0x0] =	vst.idx.msk vm15, v12  }
0x24: {  	v56 =	vor.u32 v6, v11;
	v12 =	vld.idx.msk [tilespmem:v55+s16+$0x0], $0xffff  }
0x25: {  	v57 =	vor.u32 s2, v7;
	_ =	sdelay $0x3  }
0x26: {  	[tilespmem:v56+s20+$0x0] =	vst.idx.msk vm15, v12  }
0x27: {  	v58 =	vor.u32 v7, v11;
	v12 =	vld.idx.msk [tilespmem:v57+s16+$0x0], $0xffff  }
0x28: {  	v59 =	vor.u32 s2, v8;
	_ =	sdelay $0x3  }
0x29: {  	[tilespmem:v58+s20+$0x0] =	vst.idx.msk vm15, v12  }
0x2a: {  	v60 =	vor.u32 v8, v11;
	v12 =	vld.idx.msk [tilespmem:v59+s16+$0x0], $0xffff  }
0x2b: {  	v61 =	vor.u32 s2, v9;
	_ =	sdelay $0x3  }
0x2c: {  	[tilespmem:v60+s20+$0x0] =	vst.idx.msk vm15, v12  }
0x2d: {  	v62 =	vor.u32 v9, v11;
	v12 =	vld.idx.msk [tilespmem:v61+s16+$0x0], $0xffff  }
0x2e: {  	v63 =	vor.u32 s2, v10;
	_ =	sdelay $0x3  }
0x2f: {  	[tilespmem:v62+s20+$0x0] =	vst.idx.msk vm15, v12  }
0x30: {  	v11 =	vor.u32 v10, v11;
	v12 =	vld.idx.msk [tilespmem:v63+s16+$0x0], $0xffff;
	_ =	sdelay $0x4  }
0x31: {  	[tilespmem:v11+s20+$0x0] =	vst.idx.msk vm15, v12  }
.LBB2_11:
0x32: {  	[hbm4b:s9+s5] =	stream.linear.scatter [tilespmem:s20], [sflag:$0x8], $0x8000, $0x38;
	[tilespmem:$0x9580] =	vst v63  }
0x33: {  	s31 =	sadd.s32 $0x1, s31  }
0x34: {  	_ =	swait.ge [sflag:s29], $0x8000;
	p0 =	sne.s32 s31, s10  }
.Ltmp1:
0x35: {  	[sflag:s29] =	ssyncset.done $0x0;
	(pc) =	sbr.rel @!p0 .LBB2_12-.Ltmp1, $4  }
0x36: {  	[sflag:s29] =	ssyncadd.s32 $0xFFFF8000  }
0x37: {  	_ =	swait.ge [sflag:s30], $0x20  }
0x38: {  	[sflag:s30] =	ssyncset.done $0x0  }
0x39: {  	[sflag:s30] =	ssyncadd.s32 $0xFFFFFFE0  }
.LBB2_1:
0x3a: {  	[tilespmem:s5], [sflag:$0x1] =	stream.linear.gather [hbm4b:s6+s5], $0x20, $0x38;
	[tilespmem:$0x9580] =	vst v63  }
0x3b: {  	_ = 	snop  }
0x3c: {  	[tilespmem:s11], [sflag:$0x2] =	stream.linear.gather [hbm4b:s7+s5], $0x20, $0x38;
	[tilespmem:$0x9580] =	vst v63  }
0x3d: {  	s1 =	rddreg [dreg:$0x2]  }
0x3e: {  	[tilespmem:s12], [sflag:$0x3] =	stream.linear.gather [hbm4b:s1+s5], $0x200, $0x38;
	[tilespmem:$0x9580] =	vst v63  }
0x3f: {  	[tilespmem:$0x9500] =	vst v0  }
0x40: {  	s15 =	simm.s32 $0x9500;
	[tilespmem:$0x9510] =	vst v0  }
0x41: {  	[hbm4b:s8+s5] =	stream.linear.scatter [tilespmem:s15], [sflag:$0x5], $0x20, $0x38;
	[tilespmem:$0x9580] =	vst v63  }
0x42: {  	_ =	swait.ge [sflag:s14], $0x20  }
0x43: {  	[sflag:s14] =	ssyncset.done $0x0  }
0x44: {  	[sflag:s14] =	ssyncadd.s32 $0xFFFFFFE0  }
0x45: {  	s2 =	simm.s32 $0x20;
	s19 =	rddreg [dreg:$0x1]  }
0x46: {  	[tilespmem:s16], [sflag:$0x4] =	stream.indirect.gather [hbm4b:s19+s2], $0x80, s5, s2, $0xb8;
	[tilespmem:$0x9580] =	vst v63  }
0x47: {  	_ =	swait.ge [sflag:s17], $0x20  }
0x48: {  	[sflag:s17] =	ssyncset.done $0x0  }
0x49: {  	[sflag:s17] =	ssyncadd.s32 $0xFFFFFFE0  }
0x4a: {  	v11 =	vld [tilespmem:$0x0]  }
0x4b: {  	v12 =	vld [tilespmem:$0x80]  }
0x4c: {  	v13 =	vld [tilespmem:$0x10]  }
0x4d: {  	v14 =	vld [tilespmem:$0x90]  }
0x4e: {  	v15 =	vor.u32 s5, v1  }
0x4f: {  	v15 =	vshrl.u32 v15, $0x3  }
0x50: {  	v11 =	vshll.u32 v11, $0xB  }
0x51: {  	v11 =	vadd.s32 v12, v11;
	v12 =	vshll.u32 v13, $0xB  }
0x52: {  	[tilespmem:$0x300] =	vst v11;
	v11 =	vadd.s32 v14, v12  }
0x53: {  	[tilespmem:$0x310] =	vst v11  }
0x54: {  	s4 =	simm.s32 $0x80;
	s1 =	simm.s32 $0x10;
	v11 =	vld.idx.msk [tilespmem:v15+s18+$0x0], $0xffff  }
0x55: {  	s3 =	simm.s32 $0x0;
	s13 =	simm.s32 $0x0;
	s2 =	simm.s32 $0x40;
	v12 =	vor.u32 s1, v1  }
.LBB2_2:
0x56: {  	p0 =	sne.s32 s4, $0x3C0;
	v12 =	vshrl.u32 v12, $0x3  }
0x57: {  	s15 =	sand.u32 $0x200, s3;
	s3 =	smov.u32 s2;
	s2 =	smov.u32 s4  }
0x58: {  	s19 =	sand.u32 $0x70, s13;
	s13 =	smov.u32 s1;
	s15 =	sshrl.u32 s15, $0x2  }
.Ltmp2:
0x59: {  	v11 =	vadd.s32 v2, v11;
	s15 =	sor.u32 s19, s15;
	(pc) =	sbr.rel @p0 .LBB2_2-.Ltmp2, $4  }
0x5a: {  	[tilespmem:s15+$0x380] =	vst v11  }
0x5b: {  	v11 =	vld.idx.msk [tilespmem:v12+s18+$0x0], $0xffff  }
0x5c: {  	s1 =	sadd.s32 $0x10, s1  }
0x5d: {  	s4 =	sadd.s32 $0x40, s4;
	v12 =	vor.u32 s1, v1  }
0x5e: {  	v12 =	vshrl.u32 v12, $0x3  }
0x5f: {  	s3 =	sand.u32 $0x200, s3  }
0x60: {  	s4 =	sand.u32 $0x70, s13;
	s3 =	sshrl.u32 s3, $0x2  }
0x61: {  	v11 =	vadd.s32 v2, v11;
	s3 =	sor.u32 s4, s3  }
0x62: {  	[tilespmem:s3+$0x380] =	vst v11  }
0x63: {  	v11 =	vld.idx.msk [tilespmem:v12+s18+$0x0], $0xffff;
	_ =	sdelay $0x2  }
0x64: {  	s2 =	sand.u32 $0x200, s2  }
0x65: {  	s1 =	sand.u32 $0x70, s1;
	s2 =	sshrl.u32 s2, $0x2  }
0x66: {  	s1 =	sor.u32 s1, s2;
	v11 =	vadd.s32 v2, v11  }
0x67: {  	s15 =	simm.s32 $0x380;
	[tilespmem:s1+$0x380] =	vst v11  }
0x68: {  	[tilespmem:s20], [sflag:$0x6] =	stream.indirect.gather [hbm4b:s0+s11], $0x80, s15, s11, $0xb8;
	[tilespmem:$0x9580] =	vst v63  }
0x69: {  	_ = 	snop  }
0x6a: {  	[tilespmem:s22], [sflag:$0x7] =	stream.indirect.gather [hbm4b:s0+s11], $0x80, s21, s11, $0xb8;
	[tilespmem:$0x9580] =	vst v63  }
0x6b: {  	_ =	swait.ge [sflag:s23], $0x200  }
0x6c: {  	[sflag:s23] =	ssyncset.done $0x0  }
0x6d: {  	[sflag:s23] =	ssyncadd.s32 $0xFFFFFE00  }
0x6e: {  	v11 =	vld [tilespmem:$0x0];
	_ =	sdelay $0x5  }
0x6f: {  	v57 =	vld [tilespmem:$0x80]  }
0x70: {  	v13 =	vld [tilespmem:$0x10]  }
0x71: {  	v11 =	vld.idx.msk [tilespmem:v11+s12+$0x0], $0xffff;
	_ =	sdelay $0x4  }
0x72: {  	v11 =	vsub.s32 v11, v57  }
0x73: {  	v58 =	vld [tilespmem:$0x90];
	[tilespmem:$0x9490] =	vst v11  }
0x74: {  	v13 =	vld.idx.msk [tilespmem:v13+s12+$0x0], $0xffff;
	_ =	sdelay $0x4  }
0x75: {  	vm0 =	vlt.u32 v11, $0x8;
	v11 =	vsub.s32 v13, v58  }
0x76: {  	v59 =	vsel vm0, $0x1, v3;
	vm15 =	vlt.u32 v11, $0x8  }
0x77: {  	v12 =	vor.u32 $0x80000000, v59;
	v60 =	vsel vm15, $0x1, v3  }
0x78: {  	(xrf0) =	vmax.scan.msk.u32 $0xffff, v12;
	v61 =	vor.u32 $0x80000000, v60  }
0x79: {  	(xrf0) =	vmax.scan.msk.u32 $0xffff, v61;
	_ =	sdelay $0x4  }
0x7a: {  	v62, _, _ =	vpop (xrf0)  }
0x7b: {  	(v2sf) =	vpush v62, $0xF;
	v63, _, _ =	vpop (xrf0)  }
0x7c: {  	(v2sf) =	vpush v63, $0xF;
	_ =	sdelay $0xd  }
0x7d: {  	s19 =	spop (v2sf)  }
0x7e: {  	[tilespmem:$0x94A0] =	vst v11;
	s1 =	spop (v2sf)  }
0x7f: {  	p0 =	slt.u32 s19, $0x80000001;
	_ =	swait.ge [sflag:s24], $0x1000  }
.Ltmp3:
0x80: {  	[sflag:s24] =	ssyncset.done $0x0;
	(pc) =	sbr.rel @p0 .LBB2_7-.Ltmp3, $4  }
0x81: {  	[sflag:s24] =	ssyncadd.s32 $0xFFFFF000  }
0x82: {  	_ =	swait.ge [sflag:s25], $0x4000  }
0x83: {  	[sflag:s25] =	ssyncset.done $0x0  }
0x84: {  	s4 =	simm.s32 $0x0;
	[sflag:s25] =	ssyncadd.s32 $0xFFFFC000  }
0x85: {  	s2 =	simm.s32 $0x10  }
0x86: {  	v11 =	vmov s2;
	_ =	sdelay $0x4  }
0x87: {  	v11 =	vld.idx.msk [tilespmem:v11+s26+$0x0], $0xffff;
	_ =	sdelay $0x2  }
0x88: {  	s19 =	simm.s32 $0x0  }
0x89: {  	v12 =	vor.u32 s19, v1  }
0x8a: {  	vm0 =	vlt.u32 v11, $0x8  }
0x8b: {  	v11 =	vnsel vm0, $0x0, v11  }
0x8c: {  	v11 =	vadd.s32 s4, v11  }
0x8d: {  	v13 =	vshll.u32 v11, $0x7  }
0x8e: {  	v11 =	vld.idx.msk [tilespmem:v12+s16+$0x0], $0xffff;
	v12 =	vor.u32 v1, v13  }
0x8f: {  	v14 =	vor.u32 s19, v4;
	_ =	sdelay $0x3  }
0x90: {  	[tilespmem:v12+s20+$0x0] =	vst.idx.msk vm0, v11  }
0x91: {  	v12 =	vor.u32 v4, v13;
	v11 =	vld.idx.msk [tilespmem:v14+s16+$0x0], $0xffff  }
0x92: {  	v14 =	vor.u32 s19, v5;
	_ =	sdelay $0x3  }
0x93: {  	[tilespmem:v12+s20+$0x0] =	vst.idx.msk vm0, v11  }
0x94: {  	v12 =	vor.u32 v5, v13;
	v11 =	vld.idx.msk [tilespmem:v14+s16+$0x0], $0xffff  }
0x95: {  	v14 =	vor.u32 s19, v6;
	_ =	sdelay $0x3  }
0x96: {  	[tilespmem:v12+s20+$0x0] =	vst.idx.msk vm0, v11  }
0x97: {  	v12 =	vor.u32 v6, v13;
	v11 =	vld.idx.msk [tilespmem:v14+s16+$0x0], $0xffff  }
0x98: {  	v14 =	vor.u32 s19, v7;
	_ =	sdelay $0x3  }
0x99: {  	[tilespmem:v12+s20+$0x0] =	vst.idx.msk vm0, v11  }
0x9a: {  	v12 =	vor.u32 v7, v13;
	v11 =	vld.idx.msk [tilespmem:v14+s16+$0x0], $0xffff  }
0x9b: {  	v14 =	vor.u32 s19, v8;
	_ =	sdelay $0x3  }
0x9c: {  	[tilespmem:v12+s20+$0x0] =	vst.idx.msk vm0, v11  }
0x9d: {  	v12 =	vor.u32 v8, v13;
	v11 =	vld.idx.msk [tilespmem:v14+s16+$0x0], $0xffff  }
0x9e: {  	v14 =	vor.u32 s19, v9;
	_ =	sdelay $0x3  }
0x9f: {  	[tilespmem:v12+s20+$0x0] =	vst.idx.msk vm0, v11  }
0xa0: {  	v12 =	vor.u32 v9, v13;
	v11 =	vld.idx.msk [tilespmem:v14+s16+$0x0], $0xffff  }
0xa1: {  	v14 =	vor.u32 s19, v10;
	_ =	sdelay $0x3  }
0xa2: {  	[tilespmem:v12+s20+$0x0] =	vst.idx.msk vm0, v11  }
0xa3: {  	s13 =	simm.s32 $0x11;
	v13 =	vor.u32 v10, v13;
	v11 =	vld.idx.msk [tilespmem:v14+s16+$0x0], $0xffff  }
0xa4: {  	s3 =	simm.s32 $0x2;
	s2 =	simm.s32 $0x1;
	v12 =	vmov s13  }
.LBB2_5:
0xa5: {  	_ =	sdelay $0x1  }
0xa6: {  	p0 =	sne.s32 s3, $0xF  }
0xa7: {  	s4 =	sadd.s32 $0x8, s4;
	s15 =	smov.u32 s3;
	s3 =	sadd.s32 $0x1, s3;
	[tilespmem:v13+s20+$0x0] =	vst.idx.msk vm0, v11  }
0xa8: {  	v11 =	vld.idx.msk [tilespmem:v12+s26+$0x0], $0xffff;
	_ =	sdelay $0x2  }
0xa9: {  	s13 =	sshll.u32 s2, $0x7;
	s2 =	smov.u32 s15  }
0xaa: {  	v12 =	vor.u32 s13, v1;
	_ =	sdelay $0x1  }
0xab: {  	vm0 =	vlt.u32 v11, $0x8  }
0xac: {  	v11 =	vnsel vm0, $0x0, v11  }
0xad: {  	v11 =	vadd.s32 s4, v11  }
0xae: {  	v13 =	vshll.u32 v11, $0x7;
	v12 =	vld.idx.msk [tilespmem:v12+s16+$0x0], $0xffff  }
0xaf: {  	v11 =	vor.u32 v1, v13  }
0xb0: {  	v14 =	vor.u32 s13, v4;
	_ =	sdelay $0x3  }
0xb1: {  	[tilespmem:v11+s20+$0x0] =	vst.idx.msk vm0, v12  }
0xb2: {  	v11 =	vld.idx.msk [tilespmem:v14+s16+$0x0], $0xffff  }
0xb3: {  	v12 =	vor.u32 v4, v13  }
0xb4: {  	v14 =	vor.u32 s13, v5;
	_ =	sdelay $0x3  }
0xb5: {  	[tilespmem:v12+s20+$0x0] =	vst.idx.msk vm0, v11  }
0xb6: {  	v11 =	vld.idx.msk [tilespmem:v14+s16+$0x0], $0xffff  }
0xb7: {  	v12 =	vor.u32 v5, v13  }
0xb8: {  	v14 =	vor.u32 s13, v6;
	_ =	sdelay $0x3  }
0xb9: {  	[tilespmem:v12+s20+$0x0] =	vst.idx.msk vm0, v11  }
0xba: {  	v11 =	vld.idx.msk [tilespmem:v14+s16+$0x0], $0xffff  }
0xbb: {  	v12 =	vor.u32 v6, v13  }
0xbc: {  	v14 =	vor.u32 s13, v7;
	_ =	sdelay $0x3  }
0xbd: {  	[tilespmem:v12+s20+$0x0] =	vst.idx.msk vm0, v11  }
0xbe: {  	v11 =	vld.idx.msk [tilespmem:v14+s16+$0x0], $0xffff  }
0xbf: {  	v12 =	vor.u32 v7, v13  }
0xc0: {  	v14 =	vor.u32 s13, v8;
	_ =	sdelay $0x3  }
0xc1: {  	[tilespmem:v12+s20+$0x0] =	vst.idx.msk vm0, v11  }
0xc2: {  	v11 =	vld.idx.msk [tilespmem:v14+s16+$0x0], $0xffff  }
0xc3: {  	v12 =	vor.u32 v8, v13  }
0xc4: {  	v14 =	vor.u32 s13, v9;
	_ =	sdelay $0x3  }
0xc5: {  	[tilespmem:v12+s20+$0x0] =	vst.idx.msk vm0, v11  }
0xc6: {  	v11 =	vld.idx.msk [tilespmem:v14+s16+$0x0], $0xffff  }
0xc7: {  	v12 =	vor.u32 v9, v13  }
0xc8: {  	v14 =	vor.u32 s13, v10;
	_ =	sdelay $0x2  }
.Ltmp4:
0xc9: {  	(pc) =	sbr.rel @p0 .LBB2_5-.Ltmp4, $4  }
0xca: {  	[tilespmem:v12+s20+$0x0] =	vst.idx.msk vm0, v11  }
0xcb: {  	v11 =	vld.idx.msk [tilespmem:v14+s16+$0x0], $0xffff  }
0xcc: {  	v13 =	vor.u32 v10, v13;
	s13 =	sadd.s32 $0x10, s2  }
0xcd: {  	v12 =	vmov s13  }
0xce: {  	_ =	sdelay $0x4  }
0xcf: {  	[tilespmem:v13+s20+$0x0] =	vst.idx.msk vm0, v11  }
0xd0: {  	v11 =	vld.idx.msk [tilespmem:v12+s26+$0x0], $0xffff;
	_ =	sdelay $0x2  }
0xd1: {  	s2 =	sshll.u32 s2, $0x7  }
0xd2: {  	v50 =	vor.u32 s2, v1  }
0xd3: {  	vm15 =	vlt.u32 v11, $0x8  }
0xd4: {  	s3 =	sadd.s32 $0x8, s4;
	v11 =	vnsel vm15, $0x0, v11  }
0xd5: {  	v11 =	vadd.s32 s3, v11  }
0xd6: {  	v11 =	vshll.u32 v11, $0x7  }
0xd7: {  	v12 =	vld.idx.msk [tilespmem:v50+s16+$0x0], $0xffff;
	v51 =	vor.u32 v1, v11  }
0xd8: {  	v14 =	vor.u32 s2, v4;
	_ =	sdelay $0x3  }
0xd9: {  	[tilespmem:v51+s20+$0x0] =	vst.idx.msk vm15, v12  }
0xda: {  	v52 =	vor.u32 v4, v11;
	v12 =	vld.idx.msk [tilespmem:v14+s16+$0x0], $0xffff  }
0xdb: {  	v53 =	vor.u32 s2, v5;
	_ =	sdelay $0x3  }
0xdc: {  	[tilespmem:v52+s20+$0x0] =	vst.idx.msk vm15, v12  }
0xdd: {  	v54 =	vor.u32 v5, v11;
	v12 =	vld.idx.msk [tilespmem:v53+s16+$0x0], $0xffff  }
0xde: {  	v55 =	vor.u32 s2, v6;
	_ =	sdelay $0x3  }
0xdf: {  	[tilespmem:v54+s20+$0x0] =	vst.idx.msk vm15, v12  }
0xe0: {  	v56 =	vor.u32 v6, v11;
	v12 =	vld.idx.msk [tilespmem:v55+s16+$0x0], $0xffff  }
0xe1: {  	v57 =	vor.u32 s2, v7;
	_ =	sdelay $0x3  }
0xe2: {  	[tilespmem:v56+s20+$0x0] =	vst.idx.msk vm15, v12  }
0xe3: {  	v58 =	vor.u32 v7, v11;
	v12 =	vld.idx.msk [tilespmem:v57+s16+$0x0], $0xffff  }
0xe4: {  	v59 =	vor.u32 s2, v8;
	_ =	sdelay $0x3  }
0xe5: {  	[tilespmem:v58+s20+$0x0] =	vst.idx.msk vm15, v12  }
0xe6: {  	v60 =	vor.u32 v8, v11;
	v12 =	vld.idx.msk [tilespmem:v59+s16+$0x0], $0xffff  }
0xe7: {  	v61 =	vor.u32 s2, v9;
	_ =	sdelay $0x3  }
0xe8: {  	[tilespmem:v60+s20+$0x0] =	vst.idx.msk vm15, v12  }
0xe9: {  	v62 =	vor.u32 v9, v11;
	v12 =	vld.idx.msk [tilespmem:v61+s16+$0x0], $0xffff  }
0xea: {  	v63 =	vor.u32 s2, v10;
	_ =	sdelay $0x3  }
0xeb: {  	[tilespmem:v62+s20+$0x0] =	vst.idx.msk vm15, v12  }
0xec: {  	v11 =	vor.u32 v10, v11;
	v12 =	vld.idx.msk [tilespmem:v63+s16+$0x0], $0xffff;
	_ =	sdelay $0x4  }
0xed: {  	[tilespmem:v11+s20+$0x0] =	vst.idx.msk vm15, v12  }
.LBB2_7:
0xee: {  	p0 =	slt.u32 s1, $0x80000001  }
.Ltmp5:
0xef: {  	_ = 	snop;
	(pc) =	sbr.rel @p0 .LBB2_11-.Ltmp5, $4  }
0xf0: {  	_ = 	snop  }
0xf1: {  	_ =	swait.ge [sflag:s28], $0x4000  }
0xf2: {  	[sflag:s28] =	ssyncset.done $0x0  }
0xf3: {  	[sflag:s28] =	ssyncadd.s32 $0xFFFFC000  }
0xf4: {  	s1 =	simm.s32 $0x20  }
0xf5: {  	v11 =	vmov s1;
	_ =	sdelay $0x4  }
0xf6: {  	v11 =	vld.idx.msk [tilespmem:v11+s26+$0x0], $0xffff;
	_ =	sdelay $0x2  }
0xf7: {  	s19 =	simm.s32 $0x800  }
0xf8: {  	v12 =	vor.u32 s19, v1  }
0xf9: {  	vm0 =	vlt.u32 v11, $0x8  }
0xfa: {  	s2 =	simm.s32 $0x80;
	v11 =	vnsel vm0, $0x0, v11  }
0xfb: {  	v11 =	vadd.s32 s2, v11  }
0xfc: {  	v13 =	vshll.u32 v11, $0x7  }
0xfd: {  	v11 =	vld.idx.msk [tilespmem:v12+s16+$0x0], $0xffff;
	v12 =	vor.u32 v1, v13  }
0xfe: {  	v14 =	vor.u32 s19, v4;
	_ =	sdelay $0x3  }
0xff: {  	[tilespmem:v12+s20+$0x0] =	vst.idx.msk vm0, v11  }
0x100: {  	v12 =	vor.u32 v4, v13;
	v11 =	vld.idx.msk [tilespmem:v14+s16+$0x0], $0xffff  }
0x101: {  	v14 =	vor.u32 s19, v5;
	_ =	sdelay $0x3  }
0x102: {  	[tilespmem:v12+s20+$0x0] =	vst.idx.msk vm0, v11  }
0x103: {  	v12 =	vor.u32 v5, v13;
	v11 =	vld.idx.msk [tilespmem:v14+s16+$0x0], $0xffff  }
0x104: {  	v14 =	vor.u32 s19, v6;
	_ =	sdelay $0x3  }
0x105: {  	[tilespmem:v12+s20+$0x0] =	vst.idx.msk vm0, v11  }
0x106: {  	v12 =	vor.u32 v6, v13;
	v11 =	vld.idx.msk [tilespmem:v14+s16+$0x0], $0xffff  }
0x107: {  	v14 =	vor.u32 s19, v7;
	_ =	sdelay $0x3  }
0x108: {  	[tilespmem:v12+s20+$0x0] =	vst.idx.msk vm0, v11  }
0x109: {  	v12 =	vor.u32 v7, v13;
	v11 =	vld.idx.msk [tilespmem:v14+s16+$0x0], $0xffff  }
0x10a: {  	v14 =	vor.u32 s19, v8;
	_ =	sdelay $0x3  }
0x10b: {  	[tilespmem:v12+s20+$0x0] =	vst.idx.msk vm0, v11  }
0x10c: {  	v12 =	vor.u32 v8, v13;
	v11 =	vld.idx.msk [tilespmem:v14+s16+$0x0], $0xffff  }
0x10d: {  	v14 =	vor.u32 s19, v9;
	_ =	sdelay $0x3  }
0x10e: {  	[tilespmem:v12+s20+$0x0] =	vst.idx.msk vm0, v11  }
0x10f: {  	v12 =	vor.u32 v9, v13;
	v11 =	vld.idx.msk [tilespmem:v14+s16+$0x0], $0xffff  }
0x110: {  	v14 =	vor.u32 s19, v10;
	_ =	sdelay $0x3  }
0x111: {  	[tilespmem:v12+s20+$0x0] =	vst.idx.msk vm0, v11  }
0x112: {  	s3 =	simm.s32 $0x21;
	v13 =	vor.u32 v10, v13;
	v11 =	vld.idx.msk [tilespmem:v14+s16+$0x0], $0xffff  }
0x113: {  	v12 =	vmov s3;
	_ =	sdelay $0x2  }
0x114: {  	s4 =	simm.s32 $0x90;
	s1 =	simm.s32 $0x88;
	s2 =	simm.s32 $0x11  }
.LBB2_9:
0x115: {  	p0 =	sne.s32 s4, $0xF8;
	[tilespmem:v13+s20+$0x0] =	vst.idx.msk vm0, v11;
	s13 =	smov.u32 s4;
	s4 =	sadd.s32 $0x8, s4  }
0x116: {  	v11 =	vld.idx.msk [tilespmem:v12+s26+$0x0], $0xffff;
	_ =	sdelay $0x2  }
0x117: {  	s3 =	sshll.u32 s2, $0x7  }
0x118: {  	v12 =	vor.u32 s3, v1;
	_ =	sdelay $0x1  }
0x119: {  	vm0 =	vlt.u32 v11, $0x8  }
0x11a: {  	v11 =	vnsel vm0, $0x0, v11  }
0x11b: {  	v11 =	vadd.s32 s1, v11;
	s1 =	smov.u32 s13  }
0x11c: {  	v13 =	vshll.u32 v11, $0x7;
	v12 =	vld.idx.msk [tilespmem:v12+s16+$0x0], $0xffff  }
0x11d: {  	v11 =	vor.u32 v1, v13  }
0x11e: {  	v14 =	vor.u32 s3, v4;
	_ =	sdelay $0x3  }
0x11f: {  	[tilespmem:v11+s20+$0x0] =	vst.idx.msk vm0, v12  }
0x120: {  	v11 =	vld.idx.msk [tilespmem:v14+s16+$0x0], $0xffff  }
0x121: {  	v12 =	vor.u32 v4, v13  }
0x122: {  	v14 =	vor.u32 s3, v5;
	_ =	sdelay $0x3  }
0x123: {  	[tilespmem:v12+s20+$0x0] =	vst.idx.msk vm0, v11  }
0x124: {  	v11 =	vld.idx.msk [tilespmem:v14+s16+$0x0], $0xffff  }
0x125: {  	v12 =	vor.u32 v5, v13  }
0x126: {  	v14 =	vor.u32 s3, v6;
	_ =	sdelay $0x3  }
0x127: {  	[tilespmem:v12+s20+$0x0] =	vst.idx.msk vm0, v11  }
0x128: {  	v11 =	vld.idx.msk [tilespmem:v14+s16+$0x0], $0xffff  }
0x129: {  	v12 =	vor.u32 v6, v13  }
0x12a: {  	v14 =	vor.u32 s3, v7;
	_ =	sdelay $0x3  }
0x12b: {  	[tilespmem:v12+s20+$0x0] =	vst.idx.msk vm0, v11  }
0x12c: {  	v11 =	vld.idx.msk [tilespmem:v14+s16+$0x0], $0xffff  }
0x12d: {  	v12 =	vor.u32 v7, v13  }
0x12e: {  	v14 =	vor.u32 s3, v8;
	_ =	sdelay $0x3  }
0x12f: {  	[tilespmem:v12+s20+$0x0] =	vst.idx.msk vm0, v11  }
0x130: {  	v11 =	vld.idx.msk [tilespmem:v14+s16+$0x0], $0xffff  }
0x131: {  	v12 =	vor.u32 v8, v13  }
0x132: {  	v14 =	vor.u32 s3, v9;
	_ =	sdelay $0x3  }
0x133: {  	[tilespmem:v12+s20+$0x0] =	vst.idx.msk vm0, v11  }
0x134: {  	v11 =	vld.idx.msk [tilespmem:v14+s16+$0x0], $0xffff  }
0x135: {  	v12 =	vor.u32 v9, v13  }
0x136: {  	v14 =	vor.u32 s3, v10;
	_ =	sdelay $0x2  }
.Ltmp6:
0x137: {  	(pc) =	sbr.rel @p0 .LBB2_9-.Ltmp6, $4  }
0x138: {  	[tilespmem:v12+s20+$0x0] =	vst.idx.msk vm0, v11  }
0x139: {  	s2 =	sadd.s32 $0x1, s2;
	v11 =	vld.idx.msk [tilespmem:v14+s16+$0x0], $0xffff  }
0x13a: {  	v13 =	vor.u32 v10, v13;
	s3 =	sadd.s32 $0x10, s2  }
0x13b: {  	v12 =	vmov s3  }
.Ltmp7:
0x13c: {  	_ = 	snop;
	(pc) =	sbr.rel .LBB2_10-.Ltmp7, $1  }
0x13d: {  	_ =	sdelay $0x3  }
.LBB2_12:
0x13e: {  	_ =	sfence.sel $0x180000  }
0x13f: {  	[bflag:$0x0] =	sbarrier.arrive $0xFFFF  }
0x140: {  	_ =	strace $0x90000047  }
0x141: {  	s0 =	stileid.u32;
	[bflag:$0x2] =	sbarrier.arrive $0xFFFF  }
0x142: {  	p0 =	sne.s32 s0, $0x0;
	s0 =	rddreg [dreg:$0x7]  }
0x143: {  	s0 =	sadd.s32 @!p0 $0x100000, s0  }
0x144: {  	[sflag:s0] =	ssyncadd.tile.s32 @!p0 $0x1;
	_ =	shalt  }
.Lfunc_end2:
_tile_overlayer_lowered:
.L_overlay_start_2:
0x145: {  	(tag) =	ssettag $0x2  }
0x146: {  	s0 =	rddreg [dreg:$0x0];
	s2 =	stileid.u32  }
0x147: {  	s1 =	rddreg [dreg:$0x1];
	p0 =	sne.s32 s2, $0x0  }
0x148: {  	s3 =	rddreg [dreg:$0x2];
	[bflag:$0x3] =	sbarrier.arrive $0xFFFF;
	s2 =	simm.s32 @!p0 $0x1C08  }
0x149: {  	[timem:s3], [sflag:s2] =	dma.local @!p0 [hbm:s0], s1  }
0x14a: {  	s0 =	simm.s32 @!p0 $0x8  }
0x14b: {  	_ =	swait.ge @!p0 [sflag:s0], s1  }
0x14c: {  	s1 =	ssub.s32 @!p0 $0x0, s1;
	[sflag:s0] =	ssyncset.done @!p0 $0x0  }
0x14d: {  	[sflag:s0] =	ssyncadd.s32 @!p0 s1  }
0x14e: {  	[bflag:$0x3] =	sbarrier.arrive $0xFFFF  }
0x14f: {  	_ =	shalt  }

</sc_bundles>
